<compile_context>
chip_gen: v7x
topology: tpu7x:2x2x1
jax: 0.10.2.dev20260603
libtpu: 0.0.44.dev20260713+nightly
codegen_flags: <defaults>
</compile_context>

<pallas_src>
import functools

import jax
import jax.numpy as jnp
from jax import lax
from jax.experimental import pallas as pl
from jax.experimental.pallas import tpu as pltpu
from jax.experimental.pallas import tpu_sc as plsc

_NUM_CODES = 8192
_D = 32
_COMMIT = 0.1

_TB = 1024
_CT = 1024
_CHUNK = 4096


def _vq_body(flat_ref, emb_ref, xsq_ref, esq_ref, codes_ref, loss_ref):
    x2 = flat_ref[...] * -2.0
    xsq = xsq_ref[0, 0, :][:, None]

    run_v = jnp.full((_TB,), jnp.inf, jnp.float32)
    run_exact = jnp.full((_TB,), jnp.inf, jnp.float32)
    run_i = jnp.zeros((_TB,), jnp.int32)
    lane = lax.broadcasted_iota(jnp.int32, (_TB, 128), 1).astype(jnp.float32)

    for c in range(_NUM_CODES // _CHUNK):
        vbest = jnp.full((_TB, 128), jnp.inf, jnp.float32)
        vblk = jnp.zeros((_TB, 128), jnp.float32)
        for t in range(_CHUNK // _CT):
            off = c * _CHUNK + t * _CT
            e = emb_ref[pl.ds(off, _CT), :]
            esq = esq_ref[0, pl.ds(off, _CT)]
            m2 = lax.dot_general(x2, e, (((1,), (1,)), ((), ())),
                                 preferred_element_type=jnp.float32,
                                 precision=lax.Precision.DEFAULT)
            scores = (xsq + m2) + esq[None, :]
            for k in range(_CT // 128):
                s = scores[:, k * 128:(k + 1) * 128]
                better = s < vbest
                vbest = jnp.where(better, s, vbest)
                vblk = jnp.where(better, jnp.float32(t * 8 + k), vblk)
        vm = jnp.min(vbest, axis=1, keepdims=True)
        cand = jnp.where(vbest == vm, vblk * 128.0 + lane,
                         jnp.float32(_NUM_CODES))
        g = jnp.min(cand, axis=1)
        cmin = vm[:, 0]
        better = cmin < run_v
        run_exact = jnp.where(better, cmin, run_exact)
        run_i = jnp.where(better, g.astype(jnp.int32) + c * _CHUNK, run_i)
        run_v = jnp.where(better, cmin, run_v)
        run_v = run_v.astype(jnp.bfloat16).astype(jnp.float32)

    codes_ref[0, 0, :] = run_i

    @pl.when(pl.program_id(0) == 0)
    def _():
        loss_ref[...] = jnp.zeros((1, 1), jnp.float32)
    loss_ref[...] += jnp.sum(run_exact).reshape(1, 1)


def _make_sc_gather(n):
    info = plsc.get_sparse_core_info()
    nw = info.num_cores * info.num_subcores
    b_per_w = n // nw
    nch = b_per_w // 128
    mesh = plsc.VectorSubcoreMesh(core_axis_name="c", subcore_axis_name="s")

    @functools.partial(
        pl.kernel, mesh=mesh,
        out_type=jax.ShapeDtypeStruct((n, 128), jnp.float32),
        scratch_types=[
            pltpu.VMEM((nch, 128), jnp.int32),
            pltpu.VMEM((2, 128, 128), jnp.float32),
            pltpu.SemaphoreType.DMA,
            pltpu.SemaphoreType.DMA,
        ],
    )
    def sc_gather(table_hbm, idx_hbm, out_hbm, idx_v, rows_v, sem0, sem1):
        wid = lax.axis_index("s") * info.num_cores + lax.axis_index("c")
        base = wid * b_per_w
        pltpu.sync_copy(idx_hbm.at[wid], idx_v)
        sems = (sem0, sem1)
        prev = None
        for j in range(nch):
            cur = pltpu.async_copy(table_hbm.at[idx_v.at[j]],
                                   rows_v.at[j % 2], sems[j % 2])
            if prev is not None:
                pj, pc = prev
                pc.wait()
                pltpu.sync_copy(rows_v.at[pj % 2],
                                out_hbm.at[pl.ds(base + pj * 128, 128)])
            prev = (j, cur)
        pj, pc = prev
        pc.wait()
        pltpu.sync_copy(rows_v.at[pj % 2],
                        out_hbm.at[pl.ds(base + pj * 128, 128)])

    return sc_gather, nw, b_per_w


@functools.partial(jax.jit, static_argnames=())
def kernel(z_e, emb):
    B, L, D = z_e.shape
    n = B * L
    flat = z_e.reshape(n, D)
    nblocks = n // _TB

    xsq = jnp.sum(flat ** 2, axis=1, keepdims=True)
    esq = jnp.sum(emb ** 2, axis=1, keepdims=True).T
    xsq3 = xsq.reshape(nblocks, 1, _TB)

    codes3, loss = pl.pallas_call(
        _vq_body,
        grid=(nblocks,),
        in_specs=[
            pl.BlockSpec((_TB, D), lambda i: (i, 0)),
            pl.BlockSpec((_NUM_CODES, D), lambda i: (0, 0)),
            pl.BlockSpec((1, 1, _TB), lambda i: (i, 0, 0)),
            pl.BlockSpec((1, _NUM_CODES), lambda i: (0, 0)),
        ],
        out_specs=[
            pl.BlockSpec((1, 1, _TB), lambda i: (i, 0, 0)),
            pl.BlockSpec((1, 1), lambda i: (0, 0)),
        ],
        out_shape=[
            jax.ShapeDtypeStruct((nblocks, 1, _TB), jnp.int32),
            jax.ShapeDtypeStruct((1, 1), jnp.float32),
        ],
    )(flat, emb, xsq3, esq)

    sc_gather, nw, b_per_w = _make_sc_gather(n)
    idx3 = codes3.reshape(nw, b_per_w // 128, 128)
    emb_pad = jnp.pad(emb, ((0, 0), (0, 128 - _D)))
    zq = sc_gather(emb_pad, idx3)

    codes = codes3.reshape(B, L)
    z_q = zq[:, :_D].reshape(B, L, D)
    z_q_st = z_e + lax.stop_gradient(z_q - z_e)
    loss_vq = (_COMMIT / (n * D)) * loss[0, 0]
    return (z_q_st, loss_vq, codes)

# --- scband reference (transcript-rebuilt; emitter-appended) ---
"""Pipeline reference for scband-vector-quantizer-ema-4002909520648 (READ-ONLY COPY).

The authoritative reference and input builder live on the scoring server;
editing this copy changes nothing except your own understanding.
"""

import jax, jax.numpy as jnp
import numpy as np

NUM_CODES = 8192
CODE_DIM = 32
COMMITMENT_COST = 0.1


def setup_inputs(seed: int = 0) -> dict:
    key = jax.random.key(seed)
    k1, k2 = jax.random.split(key)
    z_e = jax.random.normal(k1, (32, 1024, CODE_DIM), dtype=jnp.float32)
    emb = jax.random.uniform(k2, (NUM_CODES, CODE_DIM), minval=-1.0 / NUM_CODES, maxval=1.0 / NUM_CODES, dtype=jnp.float32)
    return {"z_e": z_e, "emb": emb}


def reference(z_e, emb):
    B, L, D = z_e.shape
    flat = z_e.reshape(-1, D)
    dists = (jnp.sum(flat ** 2, axis=1, keepdims=True)
             - 2.0 * flat @ emb.T
             + jnp.sum(emb ** 2, axis=1, keepdims=True).T)
    codes = jnp.argmin(dists, axis=1)
    z_q = jnp.take(emb, codes, axis=0).reshape(B, L, D)
    z_q_st = z_e + jax.lax.stop_gradient(z_q - z_e)
    commit = jnp.mean((z_e - jax.lax.stop_gradient(z_q)) ** 2)
    loss_vq = COMMITMENT_COST * commit
    return (z_q_st, loss_vq, codes.reshape(B, L))

if __name__ == "__main__":
    import jax
    _d = setup_inputs()
    print(jax.jit(kernel)(*tuple(_d.values())))

</pallas_src>

<mosaic_0001>
#map = affine_map<(d0, d1) -> (0, 0)>
#map1 = affine_map<(d0, d1) -> (0, 0, 0)>
module attributes {stable_mosaic.version = 14 : i64} {
  func.func @sc_gather(%arg0: i32, %arg1: i32, %arg2: memref<8192x128xf32, #tpu.memory_space<hbm>>, %arg3: memref<32x8x128xi32, #tpu.memory_space<hbm>>, %arg4: memref<32768x128xf32, #tpu.memory_space<hbm>>, %arg5: memref<8x128xi32, #tpu.memory_space<vmem>>, %arg6: memref<2x128x128xf32, #tpu.memory_space<vmem>>, %arg7: memref<!tpu.dma_semaphore, #tpu.memory_space<semaphore_mem>>, %arg8: memref<!tpu.dma_semaphore, #tpu.memory_space<semaphore_mem>>) attributes {dimension_semantics = [#tpu.dimension_semantics<core_parallel>, #tpu.dimension_semantics<subcore_parallel>], iteration_bounds = array<i64: 2, 16>, scalar_prefetch = 0 : i64, scratch_operands = 4 : i64, tpu.core_type = #tpu.core_type<sc_vector_subcore>, window_params = [{transform_indices = #map}, {transform_indices = #map1}, {transform_indices = #map}]} {
    %mul3A = arith.constant 2 : i32
    %mul3A_0 = arith.muli %arg1, %mul3A : i32
    %add3A = arith.addi %mul3A_0, %arg0 : i32
    %mul3A_1 = arith.constant 1024 : i32
    %mul3A_2 = arith.muli %add3A, %mul3A_1 : i32
    "tpu.region"() ({
      %run_scoped3A_216 = tpu.sem_alloc : memref<!tpu.dma_semaphore, #tpu.memory_space<semaphore_mem>>
      %dma_start3A_217 = arith.constant 0 : i32
      %dma_start3A_218 = arith.constant 0 : i32
      %dma_start3A_219 = tpu.memref_slice %arg3[%add3A, %dma_start3A_217, %dma_start3A_218] : memref<32x8x128xi32, #tpu.memory_space<hbm>> -> memref<1x8x128xi32, #tpu.memory_space<hbm>>
      %dma_start3A_220 = tpu.memref_squeeze %dma_start3A_219 : memref<1x8x128xi32, #tpu.memory_space<hbm>> -> memref<8x128xi32, #tpu.memory_space<hbm>>
      %dma_start3A_221 = arith.constant 0 : i32
      %dma_start3A_222 = arith.constant 0 : i32
      %dma_start3A_223 = tpu.memref_slice %arg3[%add3A, %dma_start3A_221, %dma_start3A_222] : memref<32x8x128xi32, #tpu.memory_space<hbm>> -> memref<1x8x128xi32, #tpu.memory_space<hbm>>
      %dma_start3A_224 = tpu.memref_squeeze %dma_start3A_223 : memref<1x8x128xi32, #tpu.memory_space<hbm>> -> memref<8x128xi32, #tpu.memory_space<hbm>>
      tpu.enqueue_dma source(%dma_start3A_224 : memref<8x128xi32, #tpu.memory_space<hbm>>) target(%arg5 : memref<8x128xi32, #tpu.memory_space<vmem>>) target_semaphore(%run_scoped3A_216 : memref<!tpu.dma_semaphore, #tpu.memory_space<semaphore_mem>>)
      %dma_wait3A_225 = arith.constant 0 : i32
      %dma_wait3A_226 = arith.constant 0 : i32
      %dma_wait3A_227 = tpu.memref_slice %arg3[%add3A, %dma_wait3A_225, %dma_wait3A_226] : memref<32x8x128xi32, #tpu.memory_space<hbm>> -> memref<1x8x128xi32, #tpu.memory_space<hbm>>
      %dma_wait3A_228 = tpu.memref_squeeze %dma_wait3A_227 : memref<1x8x128xi32, #tpu.memory_space<hbm>> -> memref<8x128xi32, #tpu.memory_space<hbm>>
      %dma_wait3A_229 = arith.constant 0 : i32
      %dma_wait3A_230 = arith.constant 0 : i32
      %dma_wait3A_231 = tpu.memref_slice %arg3[%add3A, %dma_wait3A_229, %dma_wait3A_230] : memref<32x8x128xi32, #tpu.memory_space<hbm>> -> memref<1x8x128xi32, #tpu.memory_space<hbm>>
      %dma_wait3A_232 = tpu.memref_squeeze %dma_wait3A_231 : memref<1x8x128xi32, #tpu.memory_space<hbm>> -> memref<8x128xi32, #tpu.memory_space<hbm>>
      tpu.wait_dma2 semaphore(%run_scoped3A_216 : memref<!tpu.dma_semaphore, #tpu.memory_space<semaphore_mem>>) src(%dma_wait3A_232 : memref<8x128xi32, #tpu.memory_space<hbm>>) dst(%arg5 : memref<8x128xi32, #tpu.memory_space<vmem>>)
      tpu.yield
    }) : () -> ()
    %dma_start3A = arith.constant 0 : i32
    %dma_start3A_3 = arith.constant 0 : i32
    %dma_start3A_4 = arith.constant 0 : i32
    %dma_start3A_5 = arith.constant 0 : i32
    %dma_start3A_6 = tpu.memref_slice %arg6[%dma_start3A_3, %dma_start3A_4, %dma_start3A_5] : memref<2x128x128xf32, #tpu.memory_space<vmem>> -> memref<1x128x128xf32, #tpu.memory_space<vmem>>
    %dma_start3A_7 = tpu.memref_squeeze %dma_start3A_6 : memref<1x128x128xf32, #tpu.memory_space<vmem>> -> memref<128x128xf32, #tpu.memory_space<vmem>>
    %dma_start3A_8 = arith.constant 0 : i32
    %dma_start3A_9 = tpu.memref_slice %arg5[%dma_start3A, %dma_start3A_8] : memref<8x128xi32, #tpu.memory_space<vmem>> -> memref<1x128xi32, #tpu.memory_space<vmem>>
    %dma_start3A_10 = tpu.memref_squeeze %dma_start3A_9 : memref<1x128xi32, #tpu.memory_space<vmem>> -> memref<128xi32, #tpu.memory_space<vmem>>
    %dma_start3A_11 = arith.constant 0 : i32
    %dma_start3A_12 = arith.constant 0 : i32
    %dma_start3A_13 = tpu.memref_slice %arg2[%dma_start3A_11, %dma_start3A_12] : memref<8192x128xf32, #tpu.memory_space<hbm>> -> memref<8192x128xf32, #tpu.memory_space<hbm>>
    tpu.enqueue_indirect_dma source(%dma_start3A_13 : memref<8192x128xf32, #tpu.memory_space<hbm>>) target(%dma_start3A_7 : memref<128x128xf32, #tpu.memory_space<vmem>>) offsets(%dma_start3A_10 : memref<128xi32, #tpu.memory_space<vmem>>) semaphore(%arg7 : memref<!tpu.dma_semaphore, #tpu.memory_space<semaphore_mem>>)
    %dma_start3A_14 = arith.constant 1 : i32
    %dma_start3A_15 = arith.constant 1 : i32
    %dma_start3A_16 = arith.constant 0 : i32
    %dma_start3A_17 = arith.constant 0 : i32
    %dma_start3A_18 = tpu.memref_slice %arg6[%dma_start3A_15, %dma_start3A_16, %dma_start3A_17] : memref<2x128x128xf32, #tpu.memory_space<vmem>> -> memref<1x128x128xf32, #tpu.memory_space<vmem>>
    %dma_start3A_19 = tpu.memref_squeeze %dma_start3A_18 : memref<1x128x128xf32, #tpu.memory_space<vmem>> -> memref<128x128xf32, #tpu.memory_space<vmem>>
    %dma_start3A_20 = arith.constant 0 : i32
    %dma_start3A_21 = tpu.memref_slice %arg5[%dma_start3A_14, %dma_start3A_20] : memref<8x128xi32, #tpu.memory_space<vmem>> -> memref<1x128xi32, #tpu.memory_space<vmem>>
    %dma_start3A_22 = tpu.memref_squeeze %dma_start3A_21 : memref<1x128xi32, #tpu.memory_space<vmem>> -> memref<128xi32, #tpu.memory_space<vmem>>
    %dma_start3A_23 = arith.constant 0 : i32
    %dma_start3A_24 = arith.constant 0 : i32
    %dma_start3A_25 = tpu.memref_slice %arg2[%dma_start3A_23, %dma_start3A_24] : memref<8192x128xf32, #tpu.memory_space<hbm>> -> memref<8192x128xf32, #tpu.memory_space<hbm>>
    tpu.enqueue_indirect_dma source(%dma_start3A_25 : memref<8192x128xf32, #tpu.memory_space<hbm>>) target(%dma_start3A_19 : memref<128x128xf32, #tpu.memory_space<vmem>>) offsets(%dma_start3A_22 : memref<128xi32, #tpu.memory_space<vmem>>) semaphore(%arg8 : memref<!tpu.dma_semaphore, #tpu.memory_space<semaphore_mem>>)
    %dma_wait3A = arith.constant 0 : i32
    %dma_wait3A_26 = arith.constant 0 : i32
    %dma_wait3A_27 = arith.constant 0 : i32
    %dma_wait3A_28 = arith.constant 0 : i32
    %dma_wait3A_29 = tpu.memref_slice %arg6[%dma_wait3A_26, %dma_wait3A_27, %dma_wait3A_28] : memref<2x128x128xf32, #tpu.memory_space<vmem>> -> memref<1x128x128xf32, #tpu.memory_space<vmem>>
    %dma_wait3A_30 = tpu.memref_squeeze %dma_wait3A_29 : memref<1x128x128xf32, #tpu.memory_space<vmem>> -> memref<128x128xf32, #tpu.memory_space<vmem>>
    %dma_wait3A_31 = arith.constant 0 : i32
    %dma_wait3A_32 = tpu.memref_slice %arg5[%dma_wait3A, %dma_wait3A_31] : memref<8x128xi32, #tpu.memory_space<vmem>> -> memref<1x128xi32, #tpu.memory_space<vmem>>
    %dma_wait3A_33 = tpu.memref_squeeze %dma_wait3A_32 : memref<1x128xi32, #tpu.memory_space<vmem>> -> memref<128xi32, #tpu.memory_space<vmem>>
    %dma_wait3A_34 = arith.constant 0 : i32
    %dma_wait3A_35 = arith.constant 0 : i32
    %dma_wait3A_36 = tpu.memref_slice %arg2[%dma_wait3A_34, %dma_wait3A_35] : memref<8192x128xf32, #tpu.memory_space<hbm>> -> memref<8192x128xf32, #tpu.memory_space<hbm>>
    tpu.wait_indirect_dma semaphore(%arg7 : memref<!tpu.dma_semaphore, #tpu.memory_space<semaphore_mem>>) src(%dma_wait3A_36 : memref<8192x128xf32, #tpu.memory_space<hbm>>) dst(%dma_wait3A_30 : memref<128x128xf32, #tpu.memory_space<vmem>>)
    %add3A_37 = arith.constant 0 : i32
    %add3A_38 = arith.addi %mul3A_2, %add3A_37 : i32
    %run_scoped3A = arith.constant 0 : i32
    "tpu.region"() ({
      %run_scoped3A_216 = tpu.sem_alloc : memref<!tpu.dma_semaphore, #tpu.memory_space<semaphore_mem>>
      %dma_start3A_217 = arith.constant 0 : i32
      %dma_start3A_218 = arith.constant 0 : i32
      %dma_start3A_219 = tpu.memref_slice %arg6[%run_scoped3A, %dma_start3A_217, %dma_start3A_218] : memref<2x128x128xf32, #tpu.memory_space<vmem>> -> memref<1x128x128xf32, #tpu.memory_space<vmem>>
      %dma_start3A_220 = tpu.memref_squeeze %dma_start3A_219 : memref<1x128x128xf32, #tpu.memory_space<vmem>> -> memref<128x128xf32, #tpu.memory_space<vmem>>
      %dma_start3A_221 = arith.constant 0 : i32
      %dma_start3A_222 = tpu.memref_slice %arg4[%add3A_38, %dma_start3A_221] : memref<32768x128xf32, #tpu.memory_space<hbm>> -> memref<128x128xf32, #tpu.memory_space<hbm>>
      %dma_start3A_223 = arith.constant 0 : i32
      %dma_start3A_224 = tpu.memref_slice %arg4[%add3A_38, %dma_start3A_223] : memref<32768x128xf32, #tpu.memory_space<hbm>> -> memref<128x128xf32, #tpu.memory_space<hbm>>
      %dma_start3A_225 = arith.constant 0 : i32
      %dma_start3A_226 = arith.constant 0 : i32
      %dma_start3A_227 = tpu.memref_slice %arg6[%run_scoped3A, %dma_start3A_225, %dma_start3A_226] : memref<2x128x128xf32, #tpu.memory_space<vmem>> -> memref<1x128x128xf32, #tpu.memory_space<vmem>>
      %dma_start3A_228 = tpu.memref_squeeze %dma_start3A_227 : memref<1x128x128xf32, #tpu.memory_space<vmem>> -> memref<128x128xf32, #tpu.memory_space<vmem>>
      tpu.enqueue_dma source(%dma_start3A_228 : memref<128x128xf32, #tpu.memory_space<vmem>>) target(%dma_start3A_224 : memref<128x128xf32, #tpu.memory_space<hbm>>) target_semaphore(%run_scoped3A_216 : memref<!tpu.dma_semaphore, #tpu.memory_space<semaphore_mem>>)
      %dma_wait3A_229 = arith.constant 0 : i32
      %dma_wait3A_230 = arith.constant 0 : i32
      %dma_wait3A_231 = tpu.memref_slice %arg6[%run_scoped3A, %dma_wait3A_229, %dma_wait3A_230] : memref<2x128x128xf32, #tpu.memory_space<vmem>> -> memref<1x128x128xf32, #tpu.memory_space<vmem>>
      %dma_wait3A_232 = tpu.memref_squeeze %dma_wait3A_231 : memref<1x128x128xf32, #tpu.memory_space<vmem>> -> memref<128x128xf32, #tpu.memory_space<vmem>>
      %dma_wait3A_233 = arith.constant 0 : i32
      %dma_wait3A_234 = tpu.memref_slice %arg4[%add3A_38, %dma_wait3A_233] : memref<32768x128xf32, #tpu.memory_space<hbm>> -> memref<128x128xf32, #tpu.memory_space<hbm>>
      %dma_wait3A_235 = arith.constant 0 : i32
      %dma_wait3A_236 = tpu.memref_slice %arg4[%add3A_38, %dma_wait3A_235] : memref<32768x128xf32, #tpu.memory_space<hbm>> -> memref<128x128xf32, #tpu.memory_space<hbm>>
      %dma_wait3A_237 = arith.constant 0 : i32
      %dma_wait3A_238 = arith.constant 0 : i32
      %dma_wait3A_239 = tpu.memref_slice %arg6[%run_scoped3A, %dma_wait3A_237, %dma_wait3A_238] : memref<2x128x128xf32, #tpu.memory_space<vmem>> -> memref<1x128x128xf32, #tpu.memory_space<vmem>>
      %dma_wait3A_240 = tpu.memref_squeeze %dma_wait3A_239 : memref<1x128x128xf32, #tpu.memory_space<vmem>> -> memref<128x128xf32, #tpu.memory_space<vmem>>
      tpu.wait_dma2 semaphore(%run_scoped3A_216 : memref<!tpu.dma_semaphore, #tpu.memory_space<semaphore_mem>>) src(%dma_wait3A_240 : memref<128x128xf32, #tpu.memory_space<vmem>>) dst(%dma_wait3A_236 : memref<128x128xf32, #tpu.memory_space<hbm>>)
      tpu.yield
    }) : () -> ()
    %dma_start3A_39 = arith.constant 2 : i32
    %dma_start3A_40 = arith.constant 0 : i32
    %dma_start3A_41 = arith.constant 0 : i32
    %dma_start3A_42 = arith.constant 0 : i32
    %dma_start3A_43 = tpu.memref_slice %arg6[%dma_start3A_40, %dma_start3A_41, %dma_start3A_42] : memref<2x128x128xf32, #tpu.memory_space<vmem>> -> memref<1x128x128xf32, #tpu.memory_space<vmem>>
    %dma_start3A_44 = tpu.memref_squeeze %dma_start3A_43 : memref<1x128x128xf32, #tpu.memory_space<vmem>> -> memref<128x128xf32, #tpu.memory_space<vmem>>
    %dma_start3A_45 = arith.constant 0 : i32
    %dma_start3A_46 = tpu.memref_slice %arg5[%dma_start3A_39, %dma_start3A_45] : memref<8x128xi32, #tpu.memory_space<vmem>> -> memref<1x128xi32, #tpu.memory_space<vmem>>
    %dma_start3A_47 = tpu.memref_squeeze %dma_start3A_46 : memref<1x128xi32, #tpu.memory_space<vmem>> -> memref<128xi32, #tpu.memory_space<vmem>>
    %dma_start3A_48 = arith.constant 0 : i32
    %dma_start3A_49 = arith.constant 0 : i32
    %dma_start3A_50 = tpu.memref_slice %arg2[%dma_start3A_48, %dma_start3A_49] : memref<8192x128xf32, #tpu.memory_space<hbm>> -> memref<8192x128xf32, #tpu.memory_space<hbm>>
    tpu.enqueue_indirect_dma source(%dma_start3A_50 : memref<8192x128xf32, #tpu.memory_space<hbm>>) target(%dma_start3A_44 : memref<128x128xf32, #tpu.memory_space<vmem>>) offsets(%dma_start3A_47 : memref<128xi32, #tpu.memory_space<vmem>>) semaphore(%arg7 : memref<!tpu.dma_semaphore, #tpu.memory_space<semaphore_mem>>)
    %dma_wait3A_51 = arith.constant 1 : i32
    %dma_wait3A_52 = arith.constant 1 : i32
    %dma_wait3A_53 = arith.constant 0 : i32
    %dma_wait3A_54 = arith.constant 0 : i32
    %dma_wait3A_55 = tpu.memref_slice %arg6[%dma_wait3A_52, %dma_wait3A_53, %dma_wait3A_54] : memref<2x128x128xf32, #tpu.memory_space<vmem>> -> memref<1x128x128xf32, #tpu.memory_space<vmem>>
    %dma_wait3A_56 = tpu.memref_squeeze %dma_wait3A_55 : memref<1x128x128xf32, #tpu.memory_space<vmem>> -> memref<128x128xf32, #tpu.memory_space<vmem>>
    %dma_wait3A_57 = arith.constant 0 : i32
    %dma_wait3A_58 = tpu.memref_slice %arg5[%dma_wait3A_51, %dma_wait3A_57] : memref<8x128xi32, #tpu.memory_space<vmem>> -> memref<1x128xi32, #tpu.memory_space<vmem>>
    %dma_wait3A_59 = tpu.memref_squeeze %dma_wait3A_58 : memref<1x128xi32, #tpu.memory_space<vmem>> -> memref<128xi32, #tpu.memory_space<vmem>>
    %dma_wait3A_60 = arith.constant 0 : i32
    %dma_wait3A_61 = arith.constant 0 : i32
    %dma_wait3A_62 = tpu.memref_slice %arg2[%dma_wait3A_60, %dma_wait3A_61] : memref<8192x128xf32, #tpu.memory_space<hbm>> -> memref<8192x128xf32, #tpu.memory_space<hbm>>
    tpu.wait_indirect_dma semaphore(%arg8 : memref<!tpu.dma_semaphore, #tpu.memory_space<semaphore_mem>>) src(%dma_wait3A_62 : memref<8192x128xf32, #tpu.memory_space<hbm>>) dst(%dma_wait3A_56 : memref<128x128xf32, #tpu.memory_space<vmem>>)
    %add3A_63 = arith.constant 128 : i32
    %add3A_64 = arith.addi %mul3A_2, %add3A_63 : i32
    %run_scoped3A_65 = arith.constant 1 : i32
    "tpu.region"() ({
      %run_scoped3A_216 = tpu.sem_alloc : memref<!tpu.dma_semaphore, #tpu.memory_space<semaphore_mem>>
      %dma_start3A_217 = arith.constant 0 : i32
      %dma_start3A_218 = arith.constant 0 : i32
      %dma_start3A_219 = tpu.memref_slice %arg6[%run_scoped3A_65, %dma_start3A_217, %dma_start3A_218] : memref<2x128x128xf32, #tpu.memory_space<vmem>> -> memref<1x128x128xf32, #tpu.memory_space<vmem>>
      %dma_start3A_220 = tpu.memref_squeeze %dma_start3A_219 : memref<1x128x128xf32, #tpu.memory_space<vmem>> -> memref<128x128xf32, #tpu.memory_space<vmem>>
      %dma_start3A_221 = arith.constant 0 : i32
      %dma_start3A_222 = tpu.memref_slice %arg4[%add3A_64, %dma_start3A_221] : memref<32768x128xf32, #tpu.memory_space<hbm>> -> memref<128x128xf32, #tpu.memory_space<hbm>>
      %dma_start3A_223 = arith.constant 0 : i32
      %dma_start3A_224 = tpu.memref_slice %arg4[%add3A_64, %dma_start3A_223] : memref<32768x128xf32, #tpu.memory_space<hbm>> -> memref<128x128xf32, #tpu.memory_space<hbm>>
      %dma_start3A_225 = arith.constant 0 : i32
      %dma_start3A_226 = arith.constant 0 : i32
      %dma_start3A_227 = tpu.memref_slice %arg6[%run_scoped3A_65, %dma_start3A_225, %dma_start3A_226] : memref<2x128x128xf32, #tpu.memory_space<vmem>> -> memref<1x128x128xf32, #tpu.memory_space<vmem>>
      %dma_start3A_228 = tpu.memref_squeeze %dma_start3A_227 : memref<1x128x128xf32, #tpu.memory_space<vmem>> -> memref<128x128xf32, #tpu.memory_space<vmem>>
      tpu.enqueue_dma source(%dma_start3A_228 : memref<128x128xf32, #tpu.memory_space<vmem>>) target(%dma_start3A_224 : memref<128x128xf32, #tpu.memory_space<hbm>>) target_semaphore(%run_scoped3A_216 : memref<!tpu.dma_semaphore, #tpu.memory_space<semaphore_mem>>)
      %dma_wait3A_229 = arith.constant 0 : i32
      %dma_wait3A_230 = arith.constant 0 : i32
      %dma_wait3A_231 = tpu.memref_slice %arg6[%run_scoped3A_65, %dma_wait3A_229, %dma_wait3A_230] : memref<2x128x128xf32, #tpu.memory_space<vmem>> -> memref<1x128x128xf32, #tpu.memory_space<vmem>>
      %dma_wait3A_232 = tpu.memref_squeeze %dma_wait3A_231 : memref<1x128x128xf32, #tpu.memory_space<vmem>> -> memref<128x128xf32, #tpu.memory_space<vmem>>
      %dma_wait3A_233 = arith.constant 0 : i32
      %dma_wait3A_234 = tpu.memref_slice %arg4[%add3A_64, %dma_wait3A_233] : memref<32768x128xf32, #tpu.memory_space<hbm>> -> memref<128x128xf32, #tpu.memory_space<hbm>>
      %dma_wait3A_235 = arith.constant 0 : i32
      %dma_wait3A_236 = tpu.memref_slice %arg4[%add3A_64, %dma_wait3A_235] : memref<32768x128xf32, #tpu.memory_space<hbm>> -> memref<128x128xf32, #tpu.memory_space<hbm>>
      %dma_wait3A_237 = arith.constant 0 : i32
      %dma_wait3A_238 = arith.constant 0 : i32
      %dma_wait3A_239 = tpu.memref_slice %arg6[%run_scoped3A_65, %dma_wait3A_237, %dma_wait3A_238] : memref<2x128x128xf32, #tpu.memory_space<vmem>> -> memref<1x128x128xf32, #tpu.memory_space<vmem>>
      %dma_wait3A_240 = tpu.memref_squeeze %dma_wait3A_239 : memref<1x128x128xf32, #tpu.memory_space<vmem>> -> memref<128x128xf32, #tpu.memory_space<vmem>>
      tpu.wait_dma2 semaphore(%run_scoped3A_216 : memref<!tpu.dma_semaphore, #tpu.memory_space<semaphore_mem>>) src(%dma_wait3A_240 : memref<128x128xf32, #tpu.memory_space<vmem>>) dst(%dma_wait3A_236 : memref<128x128xf32, #tpu.memory_space<hbm>>)
      tpu.yield
    }) : () -> ()
    %dma_start3A_66 = arith.constant 3 : i32
    %dma_start3A_67 = arith.constant 1 : i32
    %dma_start3A_68 = arith.constant 0 : i32
    %dma_start3A_69 = arith.constant 0 : i32
    %dma_start3A_70 = tpu.memref_slice %arg6[%dma_start3A_67, %dma_start3A_68, %dma_start3A_69] : memref<2x128x128xf32, #tpu.memory_space<vmem>> -> memref<1x128x128xf32, #tpu.memory_space<vmem>>
    %dma_start3A_71 = tpu.memref_squeeze %dma_start3A_70 : memref<1x128x128xf32, #tpu.memory_space<vmem>> -> memref<128x128xf32, #tpu.memory_space<vmem>>
    %dma_start3A_72 = arith.constant 0 : i32
    %dma_start3A_73 = tpu.memref_slice %arg5[%dma_start3A_66, %dma_start3A_72] : memref<8x128xi32, #tpu.memory_space<vmem>> -> memref<1x128xi32, #tpu.memory_space<vmem>>
    %dma_start3A_74 = tpu.memref_squeeze %dma_start3A_73 : memref<1x128xi32, #tpu.memory_space<vmem>> -> memref<128xi32, #tpu.memory_space<vmem>>
    %dma_start3A_75 = arith.constant 0 : i32
    %dma_start3A_76 = arith.constant 0 : i32
    %dma_start3A_77 = tpu.memref_slice %arg2[%dma_start3A_75, %dma_start3A_76] : memref<8192x128xf32, #tpu.memory_space<hbm>> -> memref<8192x128xf32, #tpu.memory_space<hbm>>
    tpu.enqueue_indirect_dma source(%dma_start3A_77 : memref<8192x128xf32, #tpu.memory_space<hbm>>) target(%dma_start3A_71 : memref<128x128xf32, #tpu.memory_space<vmem>>) offsets(%dma_start3A_74 : memref<128xi32, #tpu.memory_space<vmem>>) semaphore(%arg8 : memref<!tpu.dma_semaphore, #tpu.memory_space<semaphore_mem>>)
    %dma_wait3A_78 = arith.constant 2 : i32
    %dma_wait3A_79 = arith.constant 0 : i32
    %dma_wait3A_80 = arith.constant 0 : i32
    %dma_wait3A_81 = arith.constant 0 : i32
    %dma_wait3A_82 = tpu.memref_slice %arg6[%dma_wait3A_79, %dma_wait3A_80, %dma_wait3A_81] : memref<2x128x128xf32, #tpu.memory_space<vmem>> -> memref<1x128x128xf32, #tpu.memory_space<vmem>>
    %dma_wait3A_83 = tpu.memref_squeeze %dma_wait3A_82 : memref<1x128x128xf32, #tpu.memory_space<vmem>> -> memref<128x128xf32, #tpu.memory_space<vmem>>
    %dma_wait3A_84 = arith.constant 0 : i32
    %dma_wait3A_85 = tpu.memref_slice %arg5[%dma_wait3A_78, %dma_wait3A_84] : memref<8x128xi32, #tpu.memory_space<vmem>> -> memref<1x128xi32, #tpu.memory_space<vmem>>
    %dma_wait3A_86 = tpu.memref_squeeze %dma_wait3A_85 : memref<1x128xi32, #tpu.memory_space<vmem>> -> memref<128xi32, #tpu.memory_space<vmem>>
    %dma_wait3A_87 = arith.constant 0 : i32
    %dma_wait3A_88 = arith.constant 0 : i32
    %dma_wait3A_89 = tpu.memref_slice %arg2[%dma_wait3A_87, %dma_wait3A_88] : memref<8192x128xf32, #tpu.memory_space<hbm>> -> memref<8192x128xf32, #tpu.memory_space<hbm>>
    tpu.wait_indirect_dma semaphore(%arg7 : memref<!tpu.dma_semaphore, #tpu.memory_space<semaphore_mem>>) src(%dma_wait3A_89 : memref<8192x128xf32, #tpu.memory_space<hbm>>) dst(%dma_wait3A_83 : memref<128x128xf32, #tpu.memory_space<vmem>>)
    %add3A_90 = arith.constant 256 : i32
    %add3A_91 = arith.addi %mul3A_2, %add3A_90 : i32
    %run_scoped3A_92 = arith.constant 0 : i32
    "tpu.region"() ({
      %run_scoped3A_216 = tpu.sem_alloc : memref<!tpu.dma_semaphore, #tpu.memory_space<semaphore_mem>>
      %dma_start3A_217 = arith.constant 0 : i32
      %dma_start3A_218 = arith.constant 0 : i32
      %dma_start3A_219 = tpu.memref_slice %arg6[%run_scoped3A_92, %dma_start3A_217, %dma_start3A_218] : memref<2x128x128xf32, #tpu.memory_space<vmem>> -> memref<1x128x128xf32, #tpu.memory_space<vmem>>
      %dma_start3A_220 = tpu.memref_squeeze %dma_start3A_219 : memref<1x128x128xf32, #tpu.memory_space<vmem>> -> memref<128x128xf32, #tpu.memory_space<vmem>>
      %dma_start3A_221 = arith.constant 0 : i32
      %dma_start3A_222 = tpu.memref_slice %arg4[%add3A_91, %dma_start3A_221] : memref<32768x128xf32, #tpu.memory_space<hbm>> -> memref<128x128xf32, #tpu.memory_space<hbm>>
      %dma_start3A_223 = arith.constant 0 : i32
      %dma_start3A_224 = tpu.memref_slice %arg4[%add3A_91, %dma_start3A_223] : memref<32768x128xf32, #tpu.memory_space<hbm>> -> memref<128x128xf32, #tpu.memory_space<hbm>>
      %dma_start3A_225 = arith.constant 0 : i32
      %dma_start3A_226 = arith.constant 0 : i32
      %dma_start3A_227 = tpu.memref_slice %arg6[%run_scoped3A_92, %dma_start3A_225, %dma_start3A_226] : memref<2x128x128xf32, #tpu.memory_space<vmem>> -> memref<1x128x128xf32, #tpu.memory_space<vmem>>
      %dma_start3A_228 = tpu.memref_squeeze %dma_start3A_227 : memref<1x128x128xf32, #tpu.memory_space<vmem>> -> memref<128x128xf32, #tpu.memory_space<vmem>>
      tpu.enqueue_dma source(%dma_start3A_228 : memref<128x128xf32, #tpu.memory_space<vmem>>) target(%dma_start3A_224 : memref<128x128xf32, #tpu.memory_space<hbm>>) target_semaphore(%run_scoped3A_216 : memref<!tpu.dma_semaphore, #tpu.memory_space<semaphore_mem>>)
      %dma_wait3A_229 = arith.constant 0 : i32
      %dma_wait3A_230 = arith.constant 0 : i32
      %dma_wait3A_231 = tpu.memref_slice %arg6[%run_scoped3A_92, %dma_wait3A_229, %dma_wait3A_230] : memref<2x128x128xf32, #tpu.memory_space<vmem>> -> memref<1x128x128xf32, #tpu.memory_space<vmem>>
      %dma_wait3A_232 = tpu.memref_squeeze %dma_wait3A_231 : memref<1x128x128xf32, #tpu.memory_space<vmem>> -> memref<128x128xf32, #tpu.memory_space<vmem>>
      %dma_wait3A_233 = arith.constant 0 : i32
      %dma_wait3A_234 = tpu.memref_slice %arg4[%add3A_91, %dma_wait3A_233] : memref<32768x128xf32, #tpu.memory_space<hbm>> -> memref<128x128xf32, #tpu.memory_space<hbm>>
      %dma_wait3A_235 = arith.constant 0 : i32
      %dma_wait3A_236 = tpu.memref_slice %arg4[%add3A_91, %dma_wait3A_235] : memref<32768x128xf32, #tpu.memory_space<hbm>> -> memref<128x128xf32, #tpu.memory_space<hbm>>
      %dma_wait3A_237 = arith.constant 0 : i32
      %dma_wait3A_238 = arith.constant 0 : i32
      %dma_wait3A_239 = tpu.memref_slice %arg6[%run_scoped3A_92, %dma_wait3A_237, %dma_wait3A_238] : memref<2x128x128xf32, #tpu.memory_space<vmem>> -> memref<1x128x128xf32, #tpu.memory_space<vmem>>
      %dma_wait3A_240 = tpu.memref_squeeze %dma_wait3A_239 : memref<1x128x128xf32, #tpu.memory_space<vmem>> -> memref<128x128xf32, #tpu.memory_space<vmem>>
      tpu.wait_dma2 semaphore(%run_scoped3A_216 : memref<!tpu.dma_semaphore, #tpu.memory_space<semaphore_mem>>) src(%dma_wait3A_240 : memref<128x128xf32, #tpu.memory_space<vmem>>) dst(%dma_wait3A_236 : memref<128x128xf32, #tpu.memory_space<hbm>>)
      tpu.yield
    }) : () -> ()
    %dma_start3A_93 = arith.constant 4 : i32
    %dma_start3A_94 = arith.constant 0 : i32
    %dma_start3A_95 = arith.constant 0 : i32
    %dma_start3A_96 = arith.constant 0 : i32
    %dma_start3A_97 = tpu.memref_slice %arg6[%dma_start3A_94, %dma_start3A_95, %dma_start3A_96] : memref<2x128x128xf32, #tpu.memory_space<vmem>> -> memref<1x128x128xf32, #tpu.memory_space<vmem>>
    %dma_start3A_98 = tpu.memref_squeeze %dma_start3A_97 : memref<1x128x128xf32, #tpu.memory_space<vmem>> -> memref<128x128xf32, #tpu.memory_space<vmem>>
    %dma_start3A_99 = arith.constant 0 : i32
    %dma_start3A_100 = tpu.memref_slice %arg5[%dma_start3A_93, %dma_start3A_99] : memref<8x128xi32, #tpu.memory_space<vmem>> -> memref<1x128xi32, #tpu.memory_space<vmem>>
    %dma_start3A_101 = tpu.memref_squeeze %dma_start3A_100 : memref<1x128xi32, #tpu.memory_space<vmem>> -> memref<128xi32, #tpu.memory_space<vmem>>
    %dma_start3A_102 = arith.constant 0 : i32
    %dma_start3A_103 = arith.constant 0 : i32
    %dma_start3A_104 = tpu.memref_slice %arg2[%dma_start3A_102, %dma_start3A_103] : memref<8192x128xf32, #tpu.memory_space<hbm>> -> memref<8192x128xf32, #tpu.memory_space<hbm>>
    tpu.enqueue_indirect_dma source(%dma_start3A_104 : memref<8192x128xf32, #tpu.memory_space<hbm>>) target(%dma_start3A_98 : memref<128x128xf32, #tpu.memory_space<vmem>>) offsets(%dma_start3A_101 : memref<128xi32, #tpu.memory_space<vmem>>) semaphore(%arg7 : memref<!tpu.dma_semaphore, #tpu.memory_space<semaphore_mem>>)
    %dma_wait3A_105 = arith.constant 3 : i32
    %dma_wait3A_106 = arith.constant 1 : i32
    %dma_wait3A_107 = arith.constant 0 : i32
    %dma_wait3A_108 = arith.constant 0 : i32
    %dma_wait3A_109 = tpu.memref_slice %arg6[%dma_wait3A_106, %dma_wait3A_107, %dma_wait3A_108] : memref<2x128x128xf32, #tpu.memory_space<vmem>> -> memref<1x128x128xf32, #tpu.memory_space<vmem>>
    %dma_wait3A_110 = tpu.memref_squeeze %dma_wait3A_109 : memref<1x128x128xf32, #tpu.memory_space<vmem>> -> memref<128x128xf32, #tpu.memory_space<vmem>>
    %dma_wait3A_111 = arith.constant 0 : i32
    %dma_wait3A_112 = tpu.memref_slice %arg5[%dma_wait3A_105, %dma_wait3A_111] : memref<8x128xi32, #tpu.memory_space<vmem>> -> memref<1x128xi32, #tpu.memory_space<vmem>>
    %dma_wait3A_113 = tpu.memref_squeeze %dma_wait3A_112 : memref<1x128xi32, #tpu.memory_space<vmem>> -> memref<128xi32, #tpu.memory_space<vmem>>
    %dma_wait3A_114 = arith.constant 0 : i32
    %dma_wait3A_115 = arith.constant 0 : i32
    %dma_wait3A_116 = tpu.memref_slice %arg2[%dma_wait3A_114, %dma_wait3A_115] : memref<8192x128xf32, #tpu.memory_space<hbm>> -> memref<8192x128xf32, #tpu.memory_space<hbm>>
    tpu.wait_indirect_dma semaphore(%arg8 : memref<!tpu.dma_semaphore, #tpu.memory_space<semaphore_mem>>) src(%dma_wait3A_116 : memref<8192x128xf32, #tpu.memory_space<hbm>>) dst(%dma_wait3A_110 : memref<128x128xf32, #tpu.memory_space<vmem>>)
    %add3A_117 = arith.constant 384 : i32
    %add3A_118 = arith.addi %mul3A_2, %add3A_117 : i32
    %run_scoped3A_119 = arith.constant 1 : i32
    "tpu.region"() ({
      %run_scoped3A_216 = tpu.sem_alloc : memref<!tpu.dma_semaphore, #tpu.memory_space<semaphore_mem>>
      %dma_start3A_217 = arith.constant 0 : i32
      %dma_start3A_218 = arith.constant 0 : i32
      %dma_start3A_219 = tpu.memref_slice %arg6[%run_scoped3A_119, %dma_start3A_217, %dma_start3A_218] : memref<2x128x128xf32, #tpu.memory_space<vmem>> -> memref<1x128x128xf32, #tpu.memory_space<vmem>>
      %dma_start3A_220 = tpu.memref_squeeze %dma_start3A_219 : memref<1x128x128xf32, #tpu.memory_space<vmem>> -> memref<128x128xf32, #tpu.memory_space<vmem>>
      %dma_start3A_221 = arith.constant 0 : i32
      %dma_start3A_222 = tpu.memref_slice %arg4[%add3A_118, %dma_start3A_221] : memref<32768x128xf32, #tpu.memory_space<hbm>> -> memref<128x128xf32, #tpu.memory_space<hbm>>
      %dma_start3A_223 = arith.constant 0 : i32
      %dma_start3A_224 = tpu.memref_slice %arg4[%add3A_118, %dma_start3A_223] : memref<32768x128xf32, #tpu.memory_space<hbm>> -> memref<128x128xf32, #tpu.memory_space<hbm>>
      %dma_start3A_225 = arith.constant 0 : i32
      %dma_start3A_226 = arith.constant 0 : i32
      %dma_start3A_227 = tpu.memref_slice %arg6[%run_scoped3A_119, %dma_start3A_225, %dma_start3A_226] : memref<2x128x128xf32, #tpu.memory_space<vmem>> -> memref<1x128x128xf32, #tpu.memory_space<vmem>>
      %dma_start3A_228 = tpu.memref_squeeze %dma_start3A_227 : memref<1x128x128xf32, #tpu.memory_space<vmem>> -> memref<128x128xf32, #tpu.memory_space<vmem>>
      tpu.enqueue_dma source(%dma_start3A_228 : memref<128x128xf32, #tpu.memory_space<vmem>>) target(%dma_start3A_224 : memref<128x128xf32, #tpu.memory_space<hbm>>) target_semaphore(%run_scoped3A_216 : memref<!tpu.dma_semaphore, #tpu.memory_space<semaphore_mem>>)
      %dma_wait3A_229 = arith.constant 0 : i32
      %dma_wait3A_230 = arith.constant 0 : i32
      %dma_wait3A_231 = tpu.memref_slice %arg6[%run_scoped3A_119, %dma_wait3A_229, %dma_wait3A_230] : memref<2x128x128xf32, #tpu.memory_space<vmem>> -> memref<1x128x128xf32, #tpu.memory_space<vmem>>
      %dma_wait3A_232 = tpu.memref_squeeze %dma_wait3A_231 : memref<1x128x128xf32, #tpu.memory_space<vmem>> -> memref<128x128xf32, #tpu.memory_space<vmem>>
      %dma_wait3A_233 = arith.constant 0 : i32
      %dma_wait3A_234 = tpu.memref_slice %arg4[%add3A_118, %dma_wait3A_233] : memref<32768x128xf32, #tpu.memory_space<hbm>> -> memref<128x128xf32, #tpu.memory_space<hbm>>
      %dma_wait3A_235 = arith.constant 0 : i32
      %dma_wait3A_236 = tpu.memref_slice %arg4[%add3A_118, %dma_wait3A_235] : memref<32768x128xf32, #tpu.memory_space<hbm>> -> memref<128x128xf32, #tpu.memory_space<hbm>>
      %dma_wait3A_237 = arith.constant 0 : i32
      %dma_wait3A_238 = arith.constant 0 : i32
      %dma_wait3A_239 = tpu.memref_slice %arg6[%run_scoped3A_119, %dma_wait3A_237, %dma_wait3A_238] : memref<2x128x128xf32, #tpu.memory_space<vmem>> -> memref<1x128x128xf32, #tpu.memory_space<vmem>>
      %dma_wait3A_240 = tpu.memref_squeeze %dma_wait3A_239 : memref<1x128x128xf32, #tpu.memory_space<vmem>> -> memref<128x128xf32, #tpu.memory_space<vmem>>
      tpu.wait_dma2 semaphore(%run_scoped3A_216 : memref<!tpu.dma_semaphore, #tpu.memory_space<semaphore_mem>>) src(%dma_wait3A_240 : memref<128x128xf32, #tpu.memory_space<vmem>>) dst(%dma_wait3A_236 : memref<128x128xf32, #tpu.memory_space<hbm>>)
      tpu.yield
    }) : () -> ()
    %dma_start3A_120 = arith.constant 5 : i32
    %dma_start3A_121 = arith.constant 1 : i32
    %dma_start3A_122 = arith.constant 0 : i32
    %dma_start3A_123 = arith.constant 0 : i32
    %dma_start3A_124 = tpu.memref_slice %arg6[%dma_start3A_121, %dma_start3A_122, %dma_start3A_123] : memref<2x128x128xf32, #tpu.memory_space<vmem>> -> memref<1x128x128xf32, #tpu.memory_space<vmem>>
    %dma_start3A_125 = tpu.memref_squeeze %dma_start3A_124 : memref<1x128x128xf32, #tpu.memory_space<vmem>> -> memref<128x128xf32, #tpu.memory_space<vmem>>
    %dma_start3A_126 = arith.constant 0 : i32
    %dma_start3A_127 = tpu.memref_slice %arg5[%dma_start3A_120, %dma_start3A_126] : memref<8x128xi32, #tpu.memory_space<vmem>> -> memref<1x128xi32, #tpu.memory_space<vmem>>
    %dma_start3A_128 = tpu.memref_squeeze %dma_start3A_127 : memref<1x128xi32, #tpu.memory_space<vmem>> -> memref<128xi32, #tpu.memory_space<vmem>>
    %dma_start3A_129 = arith.constant 0 : i32
    %dma_start3A_130 = arith.constant 0 : i32
    %dma_start3A_131 = tpu.memref_slice %arg2[%dma_start3A_129, %dma_start3A_130] : memref<8192x128xf32, #tpu.memory_space<hbm>> -> memref<8192x128xf32, #tpu.memory_space<hbm>>
    tpu.enqueue_indirect_dma source(%dma_start3A_131 : memref<8192x128xf32, #tpu.memory_space<hbm>>) target(%dma_start3A_125 : memref<128x128xf32, #tpu.memory_space<vmem>>) offsets(%dma_start3A_128 : memref<128xi32, #tpu.memory_space<vmem>>) semaphore(%arg8 : memref<!tpu.dma_semaphore, #tpu.memory_space<semaphore_mem>>)
    %dma_wait3A_132 = arith.constant 4 : i32
    %dma_wait3A_133 = arith.constant 0 : i32
    %dma_wait3A_134 = arith.constant 0 : i32
    %dma_wait3A_135 = arith.constant 0 : i32
    %dma_wait3A_136 = tpu.memref_slice %arg6[%dma_wait3A_133, %dma_wait3A_134, %dma_wait3A_135] : memref<2x128x128xf32, #tpu.memory_space<vmem>> -> memref<1x128x128xf32, #tpu.memory_space<vmem>>
    %dma_wait3A_137 = tpu.memref_squeeze %dma_wait3A_136 : memref<1x128x128xf32, #tpu.memory_space<vmem>> -> memref<128x128xf32, #tpu.memory_space<vmem>>
    %dma_wait3A_138 = arith.constant 0 : i32
    %dma_wait3A_139 = tpu.memref_slice %arg5[%dma_wait3A_132, %dma_wait3A_138] : memref<8x128xi32, #tpu.memory_space<vmem>> -> memref<1x128xi32, #tpu.memory_space<vmem>>
    %dma_wait3A_140 = tpu.memref_squeeze %dma_wait3A_139 : memref<1x128xi32, #tpu.memory_space<vmem>> -> memref<128xi32, #tpu.memory_space<vmem>>
    %dma_wait3A_141 = arith.constant 0 : i32
    %dma_wait3A_142 = arith.constant 0 : i32
    %dma_wait3A_143 = tpu.memref_slice %arg2[%dma_wait3A_141, %dma_wait3A_142] : memref<8192x128xf32, #tpu.memory_space<hbm>> -> memref<8192x128xf32, #tpu.memory_space<hbm>>
    tpu.wait_indirect_dma semaphore(%arg7 : memref<!tpu.dma_semaphore, #tpu.memory_space<semaphore_mem>>) src(%dma_wait3A_143 : memref<8192x128xf32, #tpu.memory_space<hbm>>) dst(%dma_wait3A_137 : memref<128x128xf32, #tpu.memory_space<vmem>>)
    %add3A_144 = arith.constant 512 : i32
    %add3A_145 = arith.addi %mul3A_2, %add3A_144 : i32
    %run_scoped3A_146 = arith.constant 0 : i32
    "tpu.region"() ({
      %run_scoped3A_216 = tpu.sem_alloc : memref<!tpu.dma_semaphore, #tpu.memory_space<semaphore_mem>>
      %dma_start3A_217 = arith.constant 0 : i32
      %dma_start3A_218 = arith.constant 0 : i32
      %dma_start3A_219 = tpu.memref_slice %arg6[%run_scoped3A_146, %dma_start3A_217, %dma_start3A_218] : memref<2x128x128xf32, #tpu.memory_space<vmem>> -> memref<1x128x128xf32, #tpu.memory_space<vmem>>
      %dma_start3A_220 = tpu.memref_squeeze %dma_start3A_219 : memref<1x128x128xf32, #tpu.memory_space<vmem>> -> memref<128x128xf32, #tpu.memory_space<vmem>>
      %dma_start3A_221 = arith.constant 0 : i32
      %dma_start3A_222 = tpu.memref_slice %arg4[%add3A_145, %dma_start3A_221] : memref<32768x128xf32, #tpu.memory_space<hbm>> -> memref<128x128xf32, #tpu.memory_space<hbm>>
      %dma_start3A_223 = arith.constant 0 : i32
      %dma_start3A_224 = tpu.memref_slice %arg4[%add3A_145, %dma_start3A_223] : memref<32768x128xf32, #tpu.memory_space<hbm>> -> memref<128x128xf32, #tpu.memory_space<hbm>>
      %dma_start3A_225 = arith.constant 0 : i32
      %dma_start3A_226 = arith.constant 0 : i32
      %dma_start3A_227 = tpu.memref_slice %arg6[%run_scoped3A_146, %dma_start3A_225, %dma_start3A_226] : memref<2x128x128xf32, #tpu.memory_space<vmem>> -> memref<1x128x128xf32, #tpu.memory_space<vmem>>
      %dma_start3A_228 = tpu.memref_squeeze %dma_start3A_227 : memref<1x128x128xf32, #tpu.memory_space<vmem>> -> memref<128x128xf32, #tpu.memory_space<vmem>>
      tpu.enqueue_dma source(%dma_start3A_228 : memref<128x128xf32, #tpu.memory_space<vmem>>) target(%dma_start3A_224 : memref<128x128xf32, #tpu.memory_space<hbm>>) target_semaphore(%run_scoped3A_216 : memref<!tpu.dma_semaphore, #tpu.memory_space<semaphore_mem>>)
      %dma_wait3A_229 = arith.constant 0 : i32
      %dma_wait3A_230 = arith.constant 0 : i32
      %dma_wait3A_231 = tpu.memref_slice %arg6[%run_scoped3A_146, %dma_wait3A_229, %dma_wait3A_230] : memref<2x128x128xf32, #tpu.memory_space<vmem>> -> memref<1x128x128xf32, #tpu.memory_space<vmem>>
      %dma_wait3A_232 = tpu.memref_squeeze %dma_wait3A_231 : memref<1x128x128xf32, #tpu.memory_space<vmem>> -> memref<128x128xf32, #tpu.memory_space<vmem>>
      %dma_wait3A_233 = arith.constant 0 : i32
      %dma_wait3A_234 = tpu.memref_slice %arg4[%add3A_145, %dma_wait3A_233] : memref<32768x128xf32, #tpu.memory_space<hbm>> -> memref<128x128xf32, #tpu.memory_space<hbm>>
      %dma_wait3A_235 = arith.constant 0 : i32
      %dma_wait3A_236 = tpu.memref_slice %arg4[%add3A_145, %dma_wait3A_235] : memref<32768x128xf32, #tpu.memory_space<hbm>> -> memref<128x128xf32, #tpu.memory_space<hbm>>
      %dma_wait3A_237 = arith.constant 0 : i32
      %dma_wait3A_238 = arith.constant 0 : i32
      %dma_wait3A_239 = tpu.memref_slice %arg6[%run_scoped3A_146, %dma_wait3A_237, %dma_wait3A_238] : memref<2x128x128xf32, #tpu.memory_space<vmem>> -> memref<1x128x128xf32, #tpu.memory_space<vmem>>
      %dma_wait3A_240 = tpu.memref_squeeze %dma_wait3A_239 : memref<1x128x128xf32, #tpu.memory_space<vmem>> -> memref<128x128xf32, #tpu.memory_space<vmem>>
      tpu.wait_dma2 semaphore(%run_scoped3A_216 : memref<!tpu.dma_semaphore, #tpu.memory_space<semaphore_mem>>) src(%dma_wait3A_240 : memref<128x128xf32, #tpu.memory_space<vmem>>) dst(%dma_wait3A_236 : memref<128x128xf32, #tpu.memory_space<hbm>>)
      tpu.yield
    }) : () -> ()
    %dma_start3A_147 = arith.constant 6 : i32
    %dma_start3A_148 = arith.constant 0 : i32
    %dma_start3A_149 = arith.constant 0 : i32
    %dma_start3A_150 = arith.constant 0 : i32
    %dma_start3A_151 = tpu.memref_slice %arg6[%dma_start3A_148, %dma_start3A_149, %dma_start3A_150] : memref<2x128x128xf32, #tpu.memory_space<vmem>> -> memref<1x128x128xf32, #tpu.memory_space<vmem>>
    %dma_start3A_152 = tpu.memref_squeeze %dma_start3A_151 : memref<1x128x128xf32, #tpu.memory_space<vmem>> -> memref<128x128xf32, #tpu.memory_space<vmem>>
    %dma_start3A_153 = arith.constant 0 : i32
    %dma_start3A_154 = tpu.memref_slice %arg5[%dma_start3A_147, %dma_start3A_153] : memref<8x128xi32, #tpu.memory_space<vmem>> -> memref<1x128xi32, #tpu.memory_space<vmem>>
    %dma_start3A_155 = tpu.memref_squeeze %dma_start3A_154 : memref<1x128xi32, #tpu.memory_space<vmem>> -> memref<128xi32, #tpu.memory_space<vmem>>
    %dma_start3A_156 = arith.constant 0 : i32
    %dma_start3A_157 = arith.constant 0 : i32
    %dma_start3A_158 = tpu.memref_slice %arg2[%dma_start3A_156, %dma_start3A_157] : memref<8192x128xf32, #tpu.memory_space<hbm>> -> memref<8192x128xf32, #tpu.memory_space<hbm>>
    tpu.enqueue_indirect_dma source(%dma_start3A_158 : memref<8192x128xf32, #tpu.memory_space<hbm>>) target(%dma_start3A_152 : memref<128x128xf32, #tpu.memory_space<vmem>>) offsets(%dma_start3A_155 : memref<128xi32, #tpu.memory_space<vmem>>) semaphore(%arg7 : memref<!tpu.dma_semaphore, #tpu.memory_space<semaphore_mem>>)
    %dma_wait3A_159 = arith.constant 5 : i32
    %dma_wait3A_160 = arith.constant 1 : i32
    %dma_wait3A_161 = arith.constant 0 : i32
    %dma_wait3A_162 = arith.constant 0 : i32
    %dma_wait3A_163 = tpu.memref_slice %arg6[%dma_wait3A_160, %dma_wait3A_161, %dma_wait3A_162] : memref<2x128x128xf32, #tpu.memory_space<vmem>> -> memref<1x128x128xf32, #tpu.memory_space<vmem>>
    %dma_wait3A_164 = tpu.memref_squeeze %dma_wait3A_163 : memref<1x128x128xf32, #tpu.memory_space<vmem>> -> memref<128x128xf32, #tpu.memory_space<vmem>>
    %dma_wait3A_165 = arith.constant 0 : i32
    %dma_wait3A_166 = tpu.memref_slice %arg5[%dma_wait3A_159, %dma_wait3A_165] : memref<8x128xi32, #tpu.memory_space<vmem>> -> memref<1x128xi32, #tpu.memory_space<vmem>>
    %dma_wait3A_167 = tpu.memref_squeeze %dma_wait3A_166 : memref<1x128xi32, #tpu.memory_space<vmem>> -> memref<128xi32, #tpu.memory_space<vmem>>
    %dma_wait3A_168 = arith.constant 0 : i32
    %dma_wait3A_169 = arith.constant 0 : i32
    %dma_wait3A_170 = tpu.memref_slice %arg2[%dma_wait3A_168, %dma_wait3A_169] : memref<8192x128xf32, #tpu.memory_space<hbm>> -> memref<8192x128xf32, #tpu.memory_space<hbm>>
    tpu.wait_indirect_dma semaphore(%arg8 : memref<!tpu.dma_semaphore, #tpu.memory_space<semaphore_mem>>) src(%dma_wait3A_170 : memref<8192x128xf32, #tpu.memory_space<hbm>>) dst(%dma_wait3A_164 : memref<128x128xf32, #tpu.memory_space<vmem>>)
    %add3A_171 = arith.constant 640 : i32
    %add3A_172 = arith.addi %mul3A_2, %add3A_171 : i32
    %run_scoped3A_173 = arith.constant 1 : i32
    "tpu.region"() ({
      %run_scoped3A_216 = tpu.sem_alloc : memref<!tpu.dma_semaphore, #tpu.memory_space<semaphore_mem>>
      %dma_start3A_217 = arith.constant 0 : i32
      %dma_start3A_218 = arith.constant 0 : i32
      %dma_start3A_219 = tpu.memref_slice %arg6[%run_scoped3A_173, %dma_start3A_217, %dma_start3A_218] : memref<2x128x128xf32, #tpu.memory_space<vmem>> -> memref<1x128x128xf32, #tpu.memory_space<vmem>>
      %dma_start3A_220 = tpu.memref_squeeze %dma_start3A_219 : memref<1x128x128xf32, #tpu.memory_space<vmem>> -> memref<128x128xf32, #tpu.memory_space<vmem>>
      %dma_start3A_221 = arith.constant 0 : i32
      %dma_start3A_222 = tpu.memref_slice %arg4[%add3A_172, %dma_start3A_221] : memref<32768x128xf32, #tpu.memory_space<hbm>> -> memref<128x128xf32, #tpu.memory_space<hbm>>
      %dma_start3A_223 = arith.constant 0 : i32
      %dma_start3A_224 = tpu.memref_slice %arg4[%add3A_172, %dma_start3A_223] : memref<32768x128xf32, #tpu.memory_space<hbm>> -> memref<128x128xf32, #tpu.memory_space<hbm>>
      %dma_start3A_225 = arith.constant 0 : i32
      %dma_start3A_226 = arith.constant 0 : i32
      %dma_start3A_227 = tpu.memref_slice %arg6[%run_scoped3A_173, %dma_start3A_225, %dma_start3A_226] : memref<2x128x128xf32, #tpu.memory_space<vmem>> -> memref<1x128x128xf32, #tpu.memory_space<vmem>>
      %dma_start3A_228 = tpu.memref_squeeze %dma_start3A_227 : memref<1x128x128xf32, #tpu.memory_space<vmem>> -> memref<128x128xf32, #tpu.memory_space<vmem>>
      tpu.enqueue_dma source(%dma_start3A_228 : memref<128x128xf32, #tpu.memory_space<vmem>>) target(%dma_start3A_224 : memref<128x128xf32, #tpu.memory_space<hbm>>) target_semaphore(%run_scoped3A_216 : memref<!tpu.dma_semaphore, #tpu.memory_space<semaphore_mem>>)
      %dma_wait3A_229 = arith.constant 0 : i32
      %dma_wait3A_230 = arith.constant 0 : i32
      %dma_wait3A_231 = tpu.memref_slice %arg6[%run_scoped3A_173, %dma_wait3A_229, %dma_wait3A_230] : memref<2x128x128xf32, #tpu.memory_space<vmem>> -> memref<1x128x128xf32, #tpu.memory_space<vmem>>
      %dma_wait3A_232 = tpu.memref_squeeze %dma_wait3A_231 : memref<1x128x128xf32, #tpu.memory_space<vmem>> -> memref<128x128xf32, #tpu.memory_space<vmem>>
      %dma_wait3A_233 = arith.constant 0 : i32
      %dma_wait3A_234 = tpu.memref_slice %arg4[%add3A_172, %dma_wait3A_233] : memref<32768x128xf32, #tpu.memory_space<hbm>> -> memref<128x128xf32, #tpu.memory_space<hbm>>
      %dma_wait3A_235 = arith.constant 0 : i32
      %dma_wait3A_236 = tpu.memref_slice %arg4[%add3A_172, %dma_wait3A_235] : memref<32768x128xf32, #tpu.memory_space<hbm>> -> memref<128x128xf32, #tpu.memory_space<hbm>>
      %dma_wait3A_237 = arith.constant 0 : i32
      %dma_wait3A_238 = arith.constant 0 : i32
      %dma_wait3A_239 = tpu.memref_slice %arg6[%run_scoped3A_173, %dma_wait3A_237, %dma_wait3A_238] : memref<2x128x128xf32, #tpu.memory_space<vmem>> -> memref<1x128x128xf32, #tpu.memory_space<vmem>>
      %dma_wait3A_240 = tpu.memref_squeeze %dma_wait3A_239 : memref<1x128x128xf32, #tpu.memory_space<vmem>> -> memref<128x128xf32, #tpu.memory_space<vmem>>
      tpu.wait_dma2 semaphore(%run_scoped3A_216 : memref<!tpu.dma_semaphore, #tpu.memory_space<semaphore_mem>>) src(%dma_wait3A_240 : memref<128x128xf32, #tpu.memory_space<vmem>>) dst(%dma_wait3A_236 : memref<128x128xf32, #tpu.memory_space<hbm>>)
      tpu.yield
    }) : () -> ()
    %dma_start3A_174 = arith.constant 7 : i32
    %dma_start3A_175 = arith.constant 1 : i32
    %dma_start3A_176 = arith.constant 0 : i32
    %dma_start3A_177 = arith.constant 0 : i32
    %dma_start3A_178 = tpu.memref_slice %arg6[%dma_start3A_175, %dma_start3A_176, %dma_start3A_177] : memref<2x128x128xf32, #tpu.memory_space<vmem>> -> memref<1x128x128xf32, #tpu.memory_space<vmem>>
    %dma_start3A_179 = tpu.memref_squeeze %dma_start3A_178 : memref<1x128x128xf32, #tpu.memory_space<vmem>> -> memref<128x128xf32, #tpu.memory_space<vmem>>
    %dma_start3A_180 = arith.constant 0 : i32
    %dma_start3A_181 = tpu.memref_slice %arg5[%dma_start3A_174, %dma_start3A_180] : memref<8x128xi32, #tpu.memory_space<vmem>> -> memref<1x128xi32, #tpu.memory_space<vmem>>
    %dma_start3A_182 = tpu.memref_squeeze %dma_start3A_181 : memref<1x128xi32, #tpu.memory_space<vmem>> -> memref<128xi32, #tpu.memory_space<vmem>>
    %dma_start3A_183 = arith.constant 0 : i32
    %dma_start3A_184 = arith.constant 0 : i32
    %dma_start3A_185 = tpu.memref_slice %arg2[%dma_start3A_183, %dma_start3A_184] : memref<8192x128xf32, #tpu.memory_space<hbm>> -> memref<8192x128xf32, #tpu.memory_space<hbm>>
    tpu.enqueue_indirect_dma source(%dma_start3A_185 : memref<8192x128xf32, #tpu.memory_space<hbm>>) target(%dma_start3A_179 : memref<128x128xf32, #tpu.memory_space<vmem>>) offsets(%dma_start3A_182 : memref<128xi32, #tpu.memory_space<vmem>>) semaphore(%arg8 : memref<!tpu.dma_semaphore, #tpu.memory_space<semaphore_mem>>)
    %dma_wait3A_186 = arith.constant 6 : i32
    %dma_wait3A_187 = arith.constant 0 : i32
    %dma_wait3A_188 = arith.constant 0 : i32
    %dma_wait3A_189 = arith.constant 0 : i32
    %dma_wait3A_190 = tpu.memref_slice %arg6[%dma_wait3A_187, %dma_wait3A_188, %dma_wait3A_189] : memref<2x128x128xf32, #tpu.memory_space<vmem>> -> memref<1x128x128xf32, #tpu.memory_space<vmem>>
    %dma_wait3A_191 = tpu.memref_squeeze %dma_wait3A_190 : memref<1x128x128xf32, #tpu.memory_space<vmem>> -> memref<128x128xf32, #tpu.memory_space<vmem>>
    %dma_wait3A_192 = arith.constant 0 : i32
    %dma_wait3A_193 = tpu.memref_slice %arg5[%dma_wait3A_186, %dma_wait3A_192] : memref<8x128xi32, #tpu.memory_space<vmem>> -> memref<1x128xi32, #tpu.memory_space<vmem>>
    %dma_wait3A_194 = tpu.memref_squeeze %dma_wait3A_193 : memref<1x128xi32, #tpu.memory_space<vmem>> -> memref<128xi32, #tpu.memory_space<vmem>>
    %dma_wait3A_195 = arith.constant 0 : i32
    %dma_wait3A_196 = arith.constant 0 : i32
    %dma_wait3A_197 = tpu.memref_slice %arg2[%dma_wait3A_195, %dma_wait3A_196] : memref<8192x128xf32, #tpu.memory_space<hbm>> -> memref<8192x128xf32, #tpu.memory_space<hbm>>
    tpu.wait_indirect_dma semaphore(%arg7 : memref<!tpu.dma_semaphore, #tpu.memory_space<semaphore_mem>>) src(%dma_wait3A_197 : memref<8192x128xf32, #tpu.memory_space<hbm>>) dst(%dma_wait3A_191 : memref<128x128xf32, #tpu.memory_space<vmem>>)
    %add3A_198 = arith.constant 768 : i32
    %add3A_199 = arith.addi %mul3A_2, %add3A_198 : i32
    %run_scoped3A_200 = arith.constant 0 : i32
    "tpu.region"() ({
      %run_scoped3A_216 = tpu.sem_alloc : memref<!tpu.dma_semaphore, #tpu.memory_space<semaphore_mem>>
      %dma_start3A_217 = arith.constant 0 : i32
      %dma_start3A_218 = arith.constant 0 : i32
      %dma_start3A_219 = tpu.memref_slice %arg6[%run_scoped3A_200, %dma_start3A_217, %dma_start3A_218] : memref<2x128x128xf32, #tpu.memory_space<vmem>> -> memref<1x128x128xf32, #tpu.memory_space<vmem>>
      %dma_start3A_220 = tpu.memref_squeeze %dma_start3A_219 : memref<1x128x128xf32, #tpu.memory_space<vmem>> -> memref<128x128xf32, #tpu.memory_space<vmem>>
      %dma_start3A_221 = arith.constant 0 : i32
      %dma_start3A_222 = tpu.memref_slice %arg4[%add3A_199, %dma_start3A_221] : memref<32768x128xf32, #tpu.memory_space<hbm>> -> memref<128x128xf32, #tpu.memory_space<hbm>>
      %dma_start3A_223 = arith.constant 0 : i32
      %dma_start3A_224 = tpu.memref_slice %arg4[%add3A_199, %dma_start3A_223] : memref<32768x128xf32, #tpu.memory_space<hbm>> -> memref<128x128xf32, #tpu.memory_space<hbm>>
      %dma_start3A_225 = arith.constant 0 : i32
      %dma_start3A_226 = arith.constant 0 : i32
      %dma_start3A_227 = tpu.memref_slice %arg6[%run_scoped3A_200, %dma_start3A_225, %dma_start3A_226] : memref<2x128x128xf32, #tpu.memory_space<vmem>> -> memref<1x128x128xf32, #tpu.memory_space<vmem>>
      %dma_start3A_228 = tpu.memref_squeeze %dma_start3A_227 : memref<1x128x128xf32, #tpu.memory_space<vmem>> -> memref<128x128xf32, #tpu.memory_space<vmem>>
      tpu.enqueue_dma source(%dma_start3A_228 : memref<128x128xf32, #tpu.memory_space<vmem>>) target(%dma_start3A_224 : memref<128x128xf32, #tpu.memory_space<hbm>>) target_semaphore(%run_scoped3A_216 : memref<!tpu.dma_semaphore, #tpu.memory_space<semaphore_mem>>)
      %dma_wait3A_229 = arith.constant 0 : i32
      %dma_wait3A_230 = arith.constant 0 : i32
      %dma_wait3A_231 = tpu.memref_slice %arg6[%run_scoped3A_200, %dma_wait3A_229, %dma_wait3A_230] : memref<2x128x128xf32, #tpu.memory_space<vmem>> -> memref<1x128x128xf32, #tpu.memory_space<vmem>>
      %dma_wait3A_232 = tpu.memref_squeeze %dma_wait3A_231 : memref<1x128x128xf32, #tpu.memory_space<vmem>> -> memref<128x128xf32, #tpu.memory_space<vmem>>
      %dma_wait3A_233 = arith.constant 0 : i32
      %dma_wait3A_234 = tpu.memref_slice %arg4[%add3A_199, %dma_wait3A_233] : memref<32768x128xf32, #tpu.memory_space<hbm>> -> memref<128x128xf32, #tpu.memory_space<hbm>>
      %dma_wait3A_235 = arith.constant 0 : i32
      %dma_wait3A_236 = tpu.memref_slice %arg4[%add3A_199, %dma_wait3A_235] : memref<32768x128xf32, #tpu.memory_space<hbm>> -> memref<128x128xf32, #tpu.memory_space<hbm>>
      %dma_wait3A_237 = arith.constant 0 : i32
      %dma_wait3A_238 = arith.constant 0 : i32
      %dma_wait3A_239 = tpu.memref_slice %arg6[%run_scoped3A_200, %dma_wait3A_237, %dma_wait3A_238] : memref<2x128x128xf32, #tpu.memory_space<vmem>> -> memref<1x128x128xf32, #tpu.memory_space<vmem>>
      %dma_wait3A_240 = tpu.memref_squeeze %dma_wait3A_239 : memref<1x128x128xf32, #tpu.memory_space<vmem>> -> memref<128x128xf32, #tpu.memory_space<vmem>>
      tpu.wait_dma2 semaphore(%run_scoped3A_216 : memref<!tpu.dma_semaphore, #tpu.memory_space<semaphore_mem>>) src(%dma_wait3A_240 : memref<128x128xf32, #tpu.memory_space<vmem>>) dst(%dma_wait3A_236 : memref<128x128xf32, #tpu.memory_space<hbm>>)
      tpu.yield
    }) : () -> ()
    %dma_wait3A_201 = arith.constant 7 : i32
    %dma_wait3A_202 = arith.constant 1 : i32
    %dma_wait3A_203 = arith.constant 0 : i32
    %dma_wait3A_204 = arith.constant 0 : i32
    %dma_wait3A_205 = tpu.memref_slice %arg6[%dma_wait3A_202, %dma_wait3A_203, %dma_wait3A_204] : memref<2x128x128xf32, #tpu.memory_space<vmem>> -> memref<1x128x128xf32, #tpu.memory_space<vmem>>
    %dma_wait3A_206 = tpu.memref_squeeze %dma_wait3A_205 : memref<1x128x128xf32, #tpu.memory_space<vmem>> -> memref<128x128xf32, #tpu.memory_space<vmem>>
    %dma_wait3A_207 = arith.constant 0 : i32
    %dma_wait3A_208 = tpu.memref_slice %arg5[%dma_wait3A_201, %dma_wait3A_207] : memref<8x128xi32, #tpu.memory_space<vmem>> -> memref<1x128xi32, #tpu.memory_space<vmem>>
    %dma_wait3A_209 = tpu.memref_squeeze %dma_wait3A_208 : memref<1x128xi32, #tpu.memory_space<vmem>> -> memref<128xi32, #tpu.memory_space<vmem>>
    %dma_wait3A_210 = arith.constant 0 : i32
    %dma_wait3A_211 = arith.constant 0 : i32
    %dma_wait3A_212 = tpu.memref_slice %arg2[%dma_wait3A_210, %dma_wait3A_211] : memref<8192x128xf32, #tpu.memory_space<hbm>> -> memref<8192x128xf32, #tpu.memory_space<hbm>>
    tpu.wait_indirect_dma semaphore(%arg8 : memref<!tpu.dma_semaphore, #tpu.memory_space<semaphore_mem>>) src(%dma_wait3A_212 : memref<8192x128xf32, #tpu.memory_space<hbm>>) dst(%dma_wait3A_206 : memref<128x128xf32, #tpu.memory_space<vmem>>)
    %add3A_213 = arith.constant 896 : i32
    %add3A_214 = arith.addi %mul3A_2, %add3A_213 : i32
    %run_scoped3A_215 = arith.constant 1 : i32
    "tpu.region"() ({
      %run_scoped3A_216 = tpu.sem_alloc : memref<!tpu.dma_semaphore, #tpu.memory_space<semaphore_mem>>
      %dma_start3A_217 = arith.constant 0 : i32
      %dma_start3A_218 = arith.constant 0 : i32
      %dma_start3A_219 = tpu.memref_slice %arg6[%run_scoped3A_215, %dma_start3A_217, %dma_start3A_218] : memref<2x128x128xf32, #tpu.memory_space<vmem>> -> memref<1x128x128xf32, #tpu.memory_space<vmem>>
      %dma_start3A_220 = tpu.memref_squeeze %dma_start3A_219 : memref<1x128x128xf32, #tpu.memory_space<vmem>> -> memref<128x128xf32, #tpu.memory_space<vmem>>
      %dma_start3A_221 = arith.constant 0 : i32
      %dma_start3A_222 = tpu.memref_slice %arg4[%add3A_214, %dma_start3A_221] : memref<32768x128xf32, #tpu.memory_space<hbm>> -> memref<128x128xf32, #tpu.memory_space<hbm>>
      %dma_start3A_223 = arith.constant 0 : i32
      %dma_start3A_224 = tpu.memref_slice %arg4[%add3A_214, %dma_start3A_223] : memref<32768x128xf32, #tpu.memory_space<hbm>> -> memref<128x128xf32, #tpu.memory_space<hbm>>
      %dma_start3A_225 = arith.constant 0 : i32
      %dma_start3A_226 = arith.constant 0 : i32
      %dma_start3A_227 = tpu.memref_slice %arg6[%run_scoped3A_215, %dma_start3A_225, %dma_start3A_226] : memref<2x128x128xf32, #tpu.memory_space<vmem>> -> memref<1x128x128xf32, #tpu.memory_space<vmem>>
      %dma_start3A_228 = tpu.memref_squeeze %dma_start3A_227 : memref<1x128x128xf32, #tpu.memory_space<vmem>> -> memref<128x128xf32, #tpu.memory_space<vmem>>
      tpu.enqueue_dma source(%dma_start3A_228 : memref<128x128xf32, #tpu.memory_space<vmem>>) target(%dma_start3A_224 : memref<128x128xf32, #tpu.memory_space<hbm>>) target_semaphore(%run_scoped3A_216 : memref<!tpu.dma_semaphore, #tpu.memory_space<semaphore_mem>>)
      %dma_wait3A_229 = arith.constant 0 : i32
      %dma_wait3A_230 = arith.constant 0 : i32
      %dma_wait3A_231 = tpu.memref_slice %arg6[%run_scoped3A_215, %dma_wait3A_229, %dma_wait3A_230] : memref<2x128x128xf32, #tpu.memory_space<vmem>> -> memref<1x128x128xf32, #tpu.memory_space<vmem>>
      %dma_wait3A_232 = tpu.memref_squeeze %dma_wait3A_231 : memref<1x128x128xf32, #tpu.memory_space<vmem>> -> memref<128x128xf32, #tpu.memory_space<vmem>>
      %dma_wait3A_233 = arith.constant 0 : i32
      %dma_wait3A_234 = tpu.memref_slice %arg4[%add3A_214, %dma_wait3A_233] : memref<32768x128xf32, #tpu.memory_space<hbm>> -> memref<128x128xf32, #tpu.memory_space<hbm>>
      %dma_wait3A_235 = arith.constant 0 : i32
      %dma_wait3A_236 = tpu.memref_slice %arg4[%add3A_214, %dma_wait3A_235] : memref<32768x128xf32, #tpu.memory_space<hbm>> -> memref<128x128xf32, #tpu.memory_space<hbm>>
      %dma_wait3A_237 = arith.constant 0 : i32
      %dma_wait3A_238 = arith.constant 0 : i32
      %dma_wait3A_239 = tpu.memref_slice %arg6[%run_scoped3A_215, %dma_wait3A_237, %dma_wait3A_238] : memref<2x128x128xf32, #tpu.memory_space<vmem>> -> memref<1x128x128xf32, #tpu.memory_space<vmem>>
      %dma_wait3A_240 = tpu.memref_squeeze %dma_wait3A_239 : memref<1x128x128xf32, #tpu.memory_space<vmem>> -> memref<128x128xf32, #tpu.memory_space<vmem>>
      tpu.wait_dma2 semaphore(%run_scoped3A_216 : memref<!tpu.dma_semaphore, #tpu.memory_space<semaphore_mem>>) src(%dma_wait3A_240 : memref<128x128xf32, #tpu.memory_space<vmem>>) dst(%dma_wait3A_236 : memref<128x128xf32, #tpu.memory_space<hbm>>)
      tpu.yield
    }) : () -> ()
    return
  }
}

module attributes {stable_mosaic.version = 14 : i64} {
  func.func @_vq_body(%arg0: i32, %arg1: memref<1024x32xf32, #tpu.memory_space<vmem>>, %arg2: memref<8192x32xf32, #tpu.memory_space<vmem>>, %arg3: memref<1x1x1024xf32, #tpu.memory_space<vmem>>, %arg4: memref<1x8192xf32, #tpu.memory_space<vmem>>, %arg5: memref<1x1x1024xi32, #tpu.memory_space<vmem>>, %arg6: memref<1x1xf32, #tpu.memory_space<vmem>>) attributes {dimension_semantics = [#tpu.dimension_semantics<arbitrary>], iteration_bounds = array<i64: 32>, scalar_prefetch = 0 : i64, scratch_operands = 0 : i64, tpu.core_type = #tpu.core_type<tc>, window_params = [{transform_indices = @transform_0, window_bounds = array<i64: 1024, 32>}, {pipeline_mode = #tpu.pipeline_mode<synchronous>, transform_indices = @transform_1, window_bounds = array<i64: 8192, 32>}, {transform_indices = @transform_2, window_bounds = array<i64: 1, 1, 1024>}, {pipeline_mode = #tpu.pipeline_mode<synchronous>, transform_indices = @transform_3, window_bounds = array<i64: 1, 8192>}, {transform_indices = @transform_4, window_bounds = array<i64: 1, 1, 1024>}, {pipeline_mode = #tpu.pipeline_mode<synchronous>, transform_indices = @transform_5, window_bounds = array<i64: 1, 1>}]} {
    %get3A = arith.constant 0 : index
    %get3A_0 = arith.constant 0 : index
    %get3A_1 = vector.load %arg1[%get3A, %get3A_0] : memref<1024x32xf32, #tpu.memory_space<vmem>>, vector<1024x32xf32>
    %mul3A = arith.constant -2.000000e+00 : f32
    %mul3A_2 = vector.broadcast %mul3A : f32 to vector<1024x32xf32>
    %mul3A_3 = arith.mulf %get3A_1, %mul3A_2 : vector<1024x32xf32>
    %get3A_4 = arith.constant 0 : index
    %get3A_5 = arith.constant 0 : index
    %get3A_6 = arith.constant 0 : index
    %get3A_7 = vector.load %arg3[%get3A_4, %get3A_5, %get3A_6] : memref<1x1x1024xf32, #tpu.memory_space<vmem>>, vector<1x1x1024xf32>
    %get3A_8 = vector.shape_cast %get3A_7 : vector<1x1x1024xf32> to vector<1024xf32>
    %broadcast_in_dim3A = vector.shape_cast %get3A_8 : vector<1024xf32> to vector<1024x1xf32>
    %broadcast_in_dim3A_9 = arith.constant 0x7F800000 : f32
    %broadcast_in_dim3A_10 = vector.broadcast %broadcast_in_dim3A_9 : f32 to vector<1024xf32>
    %broadcast_in_dim3A_11 = arith.constant 0x7F800000 : f32
    %broadcast_in_dim3A_12 = vector.broadcast %broadcast_in_dim3A_11 : f32 to vector<1024xf32>
    %broadcast_in_dim3A_13 = arith.constant 0 : i32
    %broadcast_in_dim3A_14 = vector.broadcast %broadcast_in_dim3A_13 : i32 to vector<1024xi32>
    %iota3A = tpu.iota {dimensions = array<i32: 1>} : vector<1024x128xi32>
    %convert_element_type3A = arith.sitofp %iota3A : vector<1024x128xi32> to vector<1024x128xf32>
    %broadcast_in_dim3A_15 = arith.constant 0x7F800000 : f32
    %broadcast_in_dim3A_16 = vector.broadcast %broadcast_in_dim3A_15 : f32 to vector<1024x128xf32>
    %broadcast_in_dim3A_17 = arith.constant 0.000000e+00 : f32
    %broadcast_in_dim3A_18 = vector.broadcast %broadcast_in_dim3A_17 : f32 to vector<1024x128xf32>
    %get3A_19 = arith.constant 0 : index
    %get3A_20 = arith.constant 0 : index
    %get3A_21 = vector.load %arg2[%get3A_19, %get3A_20] : memref<8192x32xf32, #tpu.memory_space<vmem>>, vector<1024x32xf32>
    %get3A_22 = arith.constant 0 : index
    %get3A_23 = arith.constant 0 : index
    %get3A_24 = vector.load %arg4[%get3A_22, %get3A_23] : memref<1x8192xf32, #tpu.memory_space<vmem>>, vector<1x1024xf32>
    %get3A_25 = vector.shape_cast %get3A_24 : vector<1x1024xf32> to vector<1024xf32>
    %dot_general3A = arith.constant dense<0.000000e+00> : vector<1024x1024xf32>
    %dot_general3A_26 = tpu.matmul %mul3A_3, %get3A_21, %dot_general3A {dimension_numbers = #tpu.dot_dimension_numbers<[1], [1], [0], [0], [0, 0, 1, 0], [], []>, transpose_lhs_hint = false} : vector<1024x32xf32>, vector<1024x32xf32>, vector<1024x1024xf32> -> vector<1024x1024xf32>
    %add3A = vector.broadcast %broadcast_in_dim3A : vector<1024x1xf32> to vector<1024x1024xf32>
    %add3A_27 = arith.addf %add3A, %dot_general3A_26 : vector<1024x1024xf32>
    %broadcast_in_dim3A_28 = vector.shape_cast %get3A_25 : vector<1024xf32> to vector<1x1024xf32>
    %add3A_29 = vector.broadcast %broadcast_in_dim3A_28 : vector<1x1024xf32> to vector<1024x1024xf32>
    %add3A_30 = arith.addf %add3A_27, %add3A_29 : vector<1024x1024xf32>
    %slice3A = vector.extract_strided_slice %add3A_30 {offsets = [0, 0], sizes = [1024, 128], strides = [1, 1]} : vector<1024x1024xf32> to vector<1024x128xf32>
    %lt3A = arith.cmpf olt, %slice3A, %broadcast_in_dim3A_16 : vector<1024x128xf32>
    %select_n3A = arith.select %lt3A, %slice3A, %broadcast_in_dim3A_16 : vector<1024x128xi1>, vector<1024x128xf32>
    %jit3A = arith.constant 0.000000e+00 : f32
    %broadcast_in_dim3A_31 = vector.broadcast %jit3A : f32 to vector<1024x128xf32>
    %select_n3A_32 = arith.select %lt3A, %broadcast_in_dim3A_31, %broadcast_in_dim3A_18 : vector<1024x128xi1>, vector<1024x128xf32>
    %slice3A_33 = vector.extract_strided_slice %add3A_30 {offsets = [0, 128], sizes = [1024, 128], strides = [1, 1]} : vector<1024x1024xf32> to vector<1024x128xf32>
    %lt3A_34 = arith.cmpf olt, %slice3A_33, %select_n3A : vector<1024x128xf32>
    %select_n3A_35 = arith.select %lt3A_34, %slice3A_33, %select_n3A : vector<1024x128xi1>, vector<1024x128xf32>
    %jit3A_36 = arith.constant 1.000000e+00 : f32
    %broadcast_in_dim3A_37 = vector.broadcast %jit3A_36 : f32 to vector<1024x128xf32>
    %select_n3A_38 = arith.select %lt3A_34, %broadcast_in_dim3A_37, %select_n3A_32 : vector<1024x128xi1>, vector<1024x128xf32>
    %slice3A_39 = vector.extract_strided_slice %add3A_30 {offsets = [0, 256], sizes = [1024, 128], strides = [1, 1]} : vector<1024x1024xf32> to vector<1024x128xf32>
    %lt3A_40 = arith.cmpf olt, %slice3A_39, %select_n3A_35 : vector<1024x128xf32>
    %select_n3A_41 = arith.select %lt3A_40, %slice3A_39, %select_n3A_35 : vector<1024x128xi1>, vector<1024x128xf32>
    %jit3A_42 = arith.constant 2.000000e+00 : f32
    %broadcast_in_dim3A_43 = vector.broadcast %jit3A_42 : f32 to vector<1024x128xf32>
    %select_n3A_44 = arith.select %lt3A_40, %broadcast_in_dim3A_43, %select_n3A_38 : vector<1024x128xi1>, vector<1024x128xf32>
    %slice3A_45 = vector.extract_strided_slice %add3A_30 {offsets = [0, 384], sizes = [1024, 128], strides = [1, 1]} : vector<1024x1024xf32> to vector<1024x128xf32>
    %lt3A_46 = arith.cmpf olt, %slice3A_45, %select_n3A_41 : vector<1024x128xf32>
    %select_n3A_47 = arith.select %lt3A_46, %slice3A_45, %select_n3A_41 : vector<1024x128xi1>, vector<1024x128xf32>
    %jit3A_48 = arith.constant 3.000000e+00 : f32
    %broadcast_in_dim3A_49 = vector.broadcast %jit3A_48 : f32 to vector<1024x128xf32>
    %select_n3A_50 = arith.select %lt3A_46, %broadcast_in_dim3A_49, %select_n3A_44 : vector<1024x128xi1>, vector<1024x128xf32>
    %slice3A_51 = vector.extract_strided_slice %add3A_30 {offsets = [0, 512], sizes = [1024, 128], strides = [1, 1]} : vector<1024x1024xf32> to vector<1024x128xf32>
    %lt3A_52 = arith.cmpf olt, %slice3A_51, %select_n3A_47 : vector<1024x128xf32>
    %select_n3A_53 = arith.select %lt3A_52, %slice3A_51, %select_n3A_47 : vector<1024x128xi1>, vector<1024x128xf32>
    %jit3A_54 = arith.constant 4.000000e+00 : f32
    %broadcast_in_dim3A_55 = vector.broadcast %jit3A_54 : f32 to vector<1024x128xf32>
    %select_n3A_56 = arith.select %lt3A_52, %broadcast_in_dim3A_55, %select_n3A_50 : vector<1024x128xi1>, vector<1024x128xf32>
    %slice3A_57 = vector.extract_strided_slice %add3A_30 {offsets = [0, 640], sizes = [1024, 128], strides = [1, 1]} : vector<1024x1024xf32> to vector<1024x128xf32>
    %lt3A_58 = arith.cmpf olt, %slice3A_57, %select_n3A_53 : vector<1024x128xf32>
    %select_n3A_59 = arith.select %lt3A_58, %slice3A_57, %select_n3A_53 : vector<1024x128xi1>, vector<1024x128xf32>
    %jit3A_60 = arith.constant 5.000000e+00 : f32
    %broadcast_in_dim3A_61 = vector.broadcast %jit3A_60 : f32 to vector<1024x128xf32>
    %select_n3A_62 = arith.select %lt3A_58, %broadcast_in_dim3A_61, %select_n3A_56 : vector<1024x128xi1>, vector<1024x128xf32>
    %slice3A_63 = vector.extract_strided_slice %add3A_30 {offsets = [0, 768], sizes = [1024, 128], strides = [1, 1]} : vector<1024x1024xf32> to vector<1024x128xf32>
    %lt3A_64 = arith.cmpf olt, %slice3A_63, %select_n3A_59 : vector<1024x128xf32>
    %select_n3A_65 = arith.select %lt3A_64, %slice3A_63, %select_n3A_59 : vector<1024x128xi1>, vector<1024x128xf32>
    %jit3A_66 = arith.constant 6.000000e+00 : f32
    %broadcast_in_dim3A_67 = vector.broadcast %jit3A_66 : f32 to vector<1024x128xf32>
    %select_n3A_68 = arith.select %lt3A_64, %broadcast_in_dim3A_67, %select_n3A_62 : vector<1024x128xi1>, vector<1024x128xf32>
    %slice3A_69 = vector.extract_strided_slice %add3A_30 {offsets = [0, 896], sizes = [1024, 128], strides = [1, 1]} : vector<1024x1024xf32> to vector<1024x128xf32>
    %lt3A_70 = arith.cmpf olt, %slice3A_69, %select_n3A_65 : vector<1024x128xf32>
    %select_n3A_71 = arith.select %lt3A_70, %slice3A_69, %select_n3A_65 : vector<1024x128xi1>, vector<1024x128xf32>
    %jit3A_72 = arith.constant 7.000000e+00 : f32
    %broadcast_in_dim3A_73 = vector.broadcast %jit3A_72 : f32 to vector<1024x128xf32>
    %select_n3A_74 = arith.select %lt3A_70, %broadcast_in_dim3A_73, %select_n3A_68 : vector<1024x128xi1>, vector<1024x128xf32>
    %get3A_75 = arith.constant 1024 : index
    %get3A_76 = arith.constant 0 : index
    %get3A_77 = vector.load %arg2[%get3A_75, %get3A_76] : memref<8192x32xf32, #tpu.memory_space<vmem>>, vector<1024x32xf32>
    %get3A_78 = arith.constant 0 : index
    %get3A_79 = arith.constant 1024 : index
    %get3A_80 = vector.load %arg4[%get3A_78, %get3A_79] : memref<1x8192xf32, #tpu.memory_space<vmem>>, vector<1x1024xf32>
    %get3A_81 = vector.shape_cast %get3A_80 : vector<1x1024xf32> to vector<1024xf32>
    %dot_general3A_82 = arith.constant dense<0.000000e+00> : vector<1024x1024xf32>
    %dot_general3A_83 = tpu.matmul %mul3A_3, %get3A_77, %dot_general3A_82 {dimension_numbers = #tpu.dot_dimension_numbers<[1], [1], [0], [0], [0, 0, 1, 0], [], []>, transpose_lhs_hint = false} : vector<1024x32xf32>, vector<1024x32xf32>, vector<1024x1024xf32> -> vector<1024x1024xf32>
    %add3A_84 = vector.broadcast %broadcast_in_dim3A : vector<1024x1xf32> to vector<1024x1024xf32>
    %add3A_85 = arith.addf %add3A_84, %dot_general3A_83 : vector<1024x1024xf32>
    %broadcast_in_dim3A_86 = vector.shape_cast %get3A_81 : vector<1024xf32> to vector<1x1024xf32>
    %add3A_87 = vector.broadcast %broadcast_in_dim3A_86 : vector<1x1024xf32> to vector<1024x1024xf32>
    %add3A_88 = arith.addf %add3A_85, %add3A_87 : vector<1024x1024xf32>
    %slice3A_89 = vector.extract_strided_slice %add3A_88 {offsets = [0, 0], sizes = [1024, 128], strides = [1, 1]} : vector<1024x1024xf32> to vector<1024x128xf32>
    %lt3A_90 = arith.cmpf olt, %slice3A_89, %select_n3A_71 : vector<1024x128xf32>
    %select_n3A_91 = arith.select %lt3A_90, %slice3A_89, %select_n3A_71 : vector<1024x128xi1>, vector<1024x128xf32>
    %jit3A_92 = arith.constant 8.000000e+00 : f32
    %broadcast_in_dim3A_93 = vector.broadcast %jit3A_92 : f32 to vector<1024x128xf32>
    %select_n3A_94 = arith.select %lt3A_90, %broadcast_in_dim3A_93, %select_n3A_74 : vector<1024x128xi1>, vector<1024x128xf32>
    %slice3A_95 = vector.extract_strided_slice %add3A_88 {offsets = [0, 128], sizes = [1024, 128], strides = [1, 1]} : vector<1024x1024xf32> to vector<1024x128xf32>
    %lt3A_96 = arith.cmpf olt, %slice3A_95, %select_n3A_91 : vector<1024x128xf32>
    %select_n3A_97 = arith.select %lt3A_96, %slice3A_95, %select_n3A_91 : vector<1024x128xi1>, vector<1024x128xf32>
    %jit3A_98 = arith.constant 9.000000e+00 : f32
    %broadcast_in_dim3A_99 = vector.broadcast %jit3A_98 : f32 to vector<1024x128xf32>
    %select_n3A_100 = arith.select %lt3A_96, %broadcast_in_dim3A_99, %select_n3A_94 : vector<1024x128xi1>, vector<1024x128xf32>
    %slice3A_101 = vector.extract_strided_slice %add3A_88 {offsets = [0, 256], sizes = [1024, 128], strides = [1, 1]} : vector<1024x1024xf32> to vector<1024x128xf32>
    %lt3A_102 = arith.cmpf olt, %slice3A_101, %select_n3A_97 : vector<1024x128xf32>
    %select_n3A_103 = arith.select %lt3A_102, %slice3A_101, %select_n3A_97 : vector<1024x128xi1>, vector<1024x128xf32>
    %jit3A_104 = arith.constant 1.000000e+01 : f32
    %broadcast_in_dim3A_105 = vector.broadcast %jit3A_104 : f32 to vector<1024x128xf32>
    %select_n3A_106 = arith.select %lt3A_102, %broadcast_in_dim3A_105, %select_n3A_100 : vector<1024x128xi1>, vector<1024x128xf32>
    %slice3A_107 = vector.extract_strided_slice %add3A_88 {offsets = [0, 384], sizes = [1024, 128], strides = [1, 1]} : vector<1024x1024xf32> to vector<1024x128xf32>
    %lt3A_108 = arith.cmpf olt, %slice3A_107, %select_n3A_103 : vector<1024x128xf32>
    %select_n3A_109 = arith.select %lt3A_108, %slice3A_107, %select_n3A_103 : vector<1024x128xi1>, vector<1024x128xf32>
    %jit3A_110 = arith.constant 1.100000e+01 : f32
    %broadcast_in_dim3A_111 = vector.broadcast %jit3A_110 : f32 to vector<1024x128xf32>
    %select_n3A_112 = arith.select %lt3A_108, %broadcast_in_dim3A_111, %select_n3A_106 : vector<1024x128xi1>, vector<1024x128xf32>
    %slice3A_113 = vector.extract_strided_slice %add3A_88 {offsets = [0, 512], sizes = [1024, 128], strides = [1, 1]} : vector<1024x1024xf32> to vector<1024x128xf32>
    %lt3A_114 = arith.cmpf olt, %slice3A_113, %select_n3A_109 : vector<1024x128xf32>
    %select_n3A_115 = arith.select %lt3A_114, %slice3A_113, %select_n3A_109 : vector<1024x128xi1>, vector<1024x128xf32>
    %jit3A_116 = arith.constant 1.200000e+01 : f32
    %broadcast_in_dim3A_117 = vector.broadcast %jit3A_116 : f32 to vector<1024x128xf32>
    %select_n3A_118 = arith.select %lt3A_114, %broadcast_in_dim3A_117, %select_n3A_112 : vector<1024x128xi1>, vector<1024x128xf32>
    %slice3A_119 = vector.extract_strided_slice %add3A_88 {offsets = [0, 640], sizes = [1024, 128], strides = [1, 1]} : vector<1024x1024xf32> to vector<1024x128xf32>
    %lt3A_120 = arith.cmpf olt, %slice3A_119, %select_n3A_115 : vector<1024x128xf32>
    %select_n3A_121 = arith.select %lt3A_120, %slice3A_119, %select_n3A_115 : vector<1024x128xi1>, vector<1024x128xf32>
    %jit3A_122 = arith.constant 1.300000e+01 : f32
    %broadcast_in_dim3A_123 = vector.broadcast %jit3A_122 : f32 to vector<1024x128xf32>
    %select_n3A_124 = arith.select %lt3A_120, %broadcast_in_dim3A_123, %select_n3A_118 : vector<1024x128xi1>, vector<1024x128xf32>
    %slice3A_125 = vector.extract_strided_slice %add3A_88 {offsets = [0, 768], sizes = [1024, 128], strides = [1, 1]} : vector<1024x1024xf32> to vector<1024x128xf32>
    %lt3A_126 = arith.cmpf olt, %slice3A_125, %select_n3A_121 : vector<1024x128xf32>
    %select_n3A_127 = arith.select %lt3A_126, %slice3A_125, %select_n3A_121 : vector<1024x128xi1>, vector<1024x128xf32>
    %jit3A_128 = arith.constant 1.400000e+01 : f32
    %broadcast_in_dim3A_129 = vector.broadcast %jit3A_128 : f32 to vector<1024x128xf32>
    %select_n3A_130 = arith.select %lt3A_126, %broadcast_in_dim3A_129, %select_n3A_124 : vector<1024x128xi1>, vector<1024x128xf32>
    %slice3A_131 = vector.extract_strided_slice %add3A_88 {offsets = [0, 896], sizes = [1024, 128], strides = [1, 1]} : vector<1024x1024xf32> to vector<1024x128xf32>
    %lt3A_132 = arith.cmpf olt, %slice3A_131, %select_n3A_127 : vector<1024x128xf32>
    %select_n3A_133 = arith.select %lt3A_132, %slice3A_131, %select_n3A_127 : vector<1024x128xi1>, vector<1024x128xf32>
    %jit3A_134 = arith.constant 1.500000e+01 : f32
    %broadcast_in_dim3A_135 = vector.broadcast %jit3A_134 : f32 to vector<1024x128xf32>
    %select_n3A_136 = arith.select %lt3A_132, %broadcast_in_dim3A_135, %select_n3A_130 : vector<1024x128xi1>, vector<1024x128xf32>
    %get3A_137 = arith.constant 2048 : index
    %get3A_138 = arith.constant 0 : index
    %get3A_139 = vector.load %arg2[%get3A_137, %get3A_138] : memref<8192x32xf32, #tpu.memory_space<vmem>>, vector<1024x32xf32>
    %get3A_140 = arith.constant 0 : index
    %get3A_141 = arith.constant 2048 : index
    %get3A_142 = vector.load %arg4[%get3A_140, %get3A_141] : memref<1x8192xf32, #tpu.memory_space<vmem>>, vector<1x1024xf32>
    %get3A_143 = vector.shape_cast %get3A_142 : vector<1x1024xf32> to vector<1024xf32>
    %dot_general3A_144 = arith.constant dense<0.000000e+00> : vector<1024x1024xf32>
    %dot_general3A_145 = tpu.matmul %mul3A_3, %get3A_139, %dot_general3A_144 {dimension_numbers = #tpu.dot_dimension_numbers<[1], [1], [0], [0], [0, 0, 1, 0], [], []>, transpose_lhs_hint = false} : vector<1024x32xf32>, vector<1024x32xf32>, vector<1024x1024xf32> -> vector<1024x1024xf32>
    %add3A_146 = vector.broadcast %broadcast_in_dim3A : vector<1024x1xf32> to vector<1024x1024xf32>
    %add3A_147 = arith.addf %add3A_146, %dot_general3A_145 : vector<1024x1024xf32>
    %broadcast_in_dim3A_148 = vector.shape_cast %get3A_143 : vector<1024xf32> to vector<1x1024xf32>
    %add3A_149 = vector.broadcast %broadcast_in_dim3A_148 : vector<1x1024xf32> to vector<1024x1024xf32>
    %add3A_150 = arith.addf %add3A_147, %add3A_149 : vector<1024x1024xf32>
    %slice3A_151 = vector.extract_strided_slice %add3A_150 {offsets = [0, 0], sizes = [1024, 128], strides = [1, 1]} : vector<1024x1024xf32> to vector<1024x128xf32>
    %lt3A_152 = arith.cmpf olt, %slice3A_151, %select_n3A_133 : vector<1024x128xf32>
    %select_n3A_153 = arith.select %lt3A_152, %slice3A_151, %select_n3A_133 : vector<1024x128xi1>, vector<1024x128xf32>
    %jit3A_154 = arith.constant 1.600000e+01 : f32
    %broadcast_in_dim3A_155 = vector.broadcast %jit3A_154 : f32 to vector<1024x128xf32>
    %select_n3A_156 = arith.select %lt3A_152, %broadcast_in_dim3A_155, %select_n3A_136 : vector<1024x128xi1>, vector<1024x128xf32>
    %slice3A_157 = vector.extract_strided_slice %add3A_150 {offsets = [0, 128], sizes = [1024, 128], strides = [1, 1]} : vector<1024x1024xf32> to vector<1024x128xf32>
    %lt3A_158 = arith.cmpf olt, %slice3A_157, %select_n3A_153 : vector<1024x128xf32>
    %select_n3A_159 = arith.select %lt3A_158, %slice3A_157, %select_n3A_153 : vector<1024x128xi1>, vector<1024x128xf32>
    %jit3A_160 = arith.constant 1.700000e+01 : f32
    %broadcast_in_dim3A_161 = vector.broadcast %jit3A_160 : f32 to vector<1024x128xf32>
    %select_n3A_162 = arith.select %lt3A_158, %broadcast_in_dim3A_161, %select_n3A_156 : vector<1024x128xi1>, vector<1024x128xf32>
    %slice3A_163 = vector.extract_strided_slice %add3A_150 {offsets = [0, 256], sizes = [1024, 128], strides = [1, 1]} : vector<1024x1024xf32> to vector<1024x128xf32>
    %lt3A_164 = arith.cmpf olt, %slice3A_163, %select_n3A_159 : vector<1024x128xf32>
    %select_n3A_165 = arith.select %lt3A_164, %slice3A_163, %select_n3A_159 : vector<1024x128xi1>, vector<1024x128xf32>
    %jit3A_166 = arith.constant 1.800000e+01 : f32
    %broadcast_in_dim3A_167 = vector.broadcast %jit3A_166 : f32 to vector<1024x128xf32>
    %select_n3A_168 = arith.select %lt3A_164, %broadcast_in_dim3A_167, %select_n3A_162 : vector<1024x128xi1>, vector<1024x128xf32>
    %slice3A_169 = vector.extract_strided_slice %add3A_150 {offsets = [0, 384], sizes = [1024, 128], strides = [1, 1]} : vector<1024x1024xf32> to vector<1024x128xf32>
    %lt3A_170 = arith.cmpf olt, %slice3A_169, %select_n3A_165 : vector<1024x128xf32>
    %select_n3A_171 = arith.select %lt3A_170, %slice3A_169, %select_n3A_165 : vector<1024x128xi1>, vector<1024x128xf32>
    %jit3A_172 = arith.constant 1.900000e+01 : f32
    %broadcast_in_dim3A_173 = vector.broadcast %jit3A_172 : f32 to vector<1024x128xf32>
    %select_n3A_174 = arith.select %lt3A_170, %broadcast_in_dim3A_173, %select_n3A_168 : vector<1024x128xi1>, vector<1024x128xf32>
    %slice3A_175 = vector.extract_strided_slice %add3A_150 {offsets = [0, 512], sizes = [1024, 128], strides = [1, 1]} : vector<1024x1024xf32> to vector<1024x128xf32>
    %lt3A_176 = arith.cmpf olt, %slice3A_175, %select_n3A_171 : vector<1024x128xf32>
    %select_n3A_177 = arith.select %lt3A_176, %slice3A_175, %select_n3A_171 : vector<1024x128xi1>, vector<1024x128xf32>
    %jit3A_178 = arith.constant 2.000000e+01 : f32
    %broadcast_in_dim3A_179 = vector.broadcast %jit3A_178 : f32 to vector<1024x128xf32>
    %select_n3A_180 = arith.select %lt3A_176, %broadcast_in_dim3A_179, %select_n3A_174 : vector<1024x128xi1>, vector<1024x128xf32>
    %slice3A_181 = vector.extract_strided_slice %add3A_150 {offsets = [0, 640], sizes = [1024, 128], strides = [1, 1]} : vector<1024x1024xf32> to vector<1024x128xf32>
    %lt3A_182 = arith.cmpf olt, %slice3A_181, %select_n3A_177 : vector<1024x128xf32>
    %select_n3A_183 = arith.select %lt3A_182, %slice3A_181, %select_n3A_177 : vector<1024x128xi1>, vector<1024x128xf32>
    %jit3A_184 = arith.constant 2.100000e+01 : f32
    %broadcast_in_dim3A_185 = vector.broadcast %jit3A_184 : f32 to vector<1024x128xf32>
    %select_n3A_186 = arith.select %lt3A_182, %broadcast_in_dim3A_185, %select_n3A_180 : vector<1024x128xi1>, vector<1024x128xf32>
    %slice3A_187 = vector.extract_strided_slice %add3A_150 {offsets = [0, 768], sizes = [1024, 128], strides = [1, 1]} : vector<1024x1024xf32> to vector<1024x128xf32>
    %lt3A_188 = arith.cmpf olt, %slice3A_187, %select_n3A_183 : vector<1024x128xf32>
    %select_n3A_189 = arith.select %lt3A_188, %slice3A_187, %select_n3A_183 : vector<1024x128xi1>, vector<1024x128xf32>
    %jit3A_190 = arith.constant 2.200000e+01 : f32
    %broadcast_in_dim3A_191 = vector.broadcast %jit3A_190 : f32 to vector<1024x128xf32>
    %select_n3A_192 = arith.select %lt3A_188, %broadcast_in_dim3A_191, %select_n3A_186 : vector<1024x128xi1>, vector<1024x128xf32>
    %slice3A_193 = vector.extract_strided_slice %add3A_150 {offsets = [0, 896], sizes = [1024, 128], strides = [1, 1]} : vector<1024x1024xf32> to vector<1024x128xf32>
    %lt3A_194 = arith.cmpf olt, %slice3A_193, %select_n3A_189 : vector<1024x128xf32>
    %select_n3A_195 = arith.select %lt3A_194, %slice3A_193, %select_n3A_189 : vector<1024x128xi1>, vector<1024x128xf32>
    %jit3A_196 = arith.constant 2.300000e+01 : f32
    %broadcast_in_dim3A_197 = vector.broadcast %jit3A_196 : f32 to vector<1024x128xf32>
    %select_n3A_198 = arith.select %lt3A_194, %broadcast_in_dim3A_197, %select_n3A_192 : vector<1024x128xi1>, vector<1024x128xf32>
    %get3A_199 = arith.constant 3072 : index
    %get3A_200 = arith.constant 0 : index
    %get3A_201 = vector.load %arg2[%get3A_199, %get3A_200] : memref<8192x32xf32, #tpu.memory_space<vmem>>, vector<1024x32xf32>
    %get3A_202 = arith.constant 0 : index
    %get3A_203 = arith.constant 3072 : index
    %get3A_204 = vector.load %arg4[%get3A_202, %get3A_203] : memref<1x8192xf32, #tpu.memory_space<vmem>>, vector<1x1024xf32>
    %get3A_205 = vector.shape_cast %get3A_204 : vector<1x1024xf32> to vector<1024xf32>
    %dot_general3A_206 = arith.constant dense<0.000000e+00> : vector<1024x1024xf32>
    %dot_general3A_207 = tpu.matmul %mul3A_3, %get3A_201, %dot_general3A_206 {dimension_numbers = #tpu.dot_dimension_numbers<[1], [1], [0], [0], [0, 0, 1, 0], [], []>, transpose_lhs_hint = false} : vector<1024x32xf32>, vector<1024x32xf32>, vector<1024x1024xf32> -> vector<1024x1024xf32>
    %add3A_208 = vector.broadcast %broadcast_in_dim3A : vector<1024x1xf32> to vector<1024x1024xf32>
    %add3A_209 = arith.addf %add3A_208, %dot_general3A_207 : vector<1024x1024xf32>
    %broadcast_in_dim3A_210 = vector.shape_cast %get3A_205 : vector<1024xf32> to vector<1x1024xf32>
    %add3A_211 = vector.broadcast %broadcast_in_dim3A_210 : vector<1x1024xf32> to vector<1024x1024xf32>
    %add3A_212 = arith.addf %add3A_209, %add3A_211 : vector<1024x1024xf32>
    %slice3A_213 = vector.extract_strided_slice %add3A_212 {offsets = [0, 0], sizes = [1024, 128], strides = [1, 1]} : vector<1024x1024xf32> to vector<1024x128xf32>
    %lt3A_214 = arith.cmpf olt, %slice3A_213, %select_n3A_195 : vector<1024x128xf32>
    %select_n3A_215 = arith.select %lt3A_214, %slice3A_213, %select_n3A_195 : vector<1024x128xi1>, vector<1024x128xf32>
    %jit3A_216 = arith.constant 2.400000e+01 : f32
    %broadcast_in_dim3A_217 = vector.broadcast %jit3A_216 : f32 to vector<1024x128xf32>
    %select_n3A_218 = arith.select %lt3A_214, %broadcast_in_dim3A_217, %select_n3A_198 : vector<1024x128xi1>, vector<1024x128xf32>
    %slice3A_219 = vector.extract_strided_slice %add3A_212 {offsets = [0, 128], sizes = [1024, 128], strides = [1, 1]} : vector<1024x1024xf32> to vector<1024x128xf32>
    %lt3A_220 = arith.cmpf olt, %slice3A_219, %select_n3A_215 : vector<1024x128xf32>
    %select_n3A_221 = arith.select %lt3A_220, %slice3A_219, %select_n3A_215 : vector<1024x128xi1>, vector<1024x128xf32>
    %jit3A_222 = arith.constant 2.500000e+01 : f32
    %broadcast_in_dim3A_223 = vector.broadcast %jit3A_222 : f32 to vector<1024x128xf32>
    %select_n3A_224 = arith.select %lt3A_220, %broadcast_in_dim3A_223, %select_n3A_218 : vector<1024x128xi1>, vector<1024x128xf32>
    %slice3A_225 = vector.extract_strided_slice %add3A_212 {offsets = [0, 256], sizes = [1024, 128], strides = [1, 1]} : vector<1024x1024xf32> to vector<1024x128xf32>
    %lt3A_226 = arith.cmpf olt, %slice3A_225, %select_n3A_221 : vector<1024x128xf32>
    %select_n3A_227 = arith.select %lt3A_226, %slice3A_225, %select_n3A_221 : vector<1024x128xi1>, vector<1024x128xf32>
    %jit3A_228 = arith.constant 2.600000e+01 : f32
    %broadcast_in_dim3A_229 = vector.broadcast %jit3A_228 : f32 to vector<1024x128xf32>
    %select_n3A_230 = arith.select %lt3A_226, %broadcast_in_dim3A_229, %select_n3A_224 : vector<1024x128xi1>, vector<1024x128xf32>
    %slice3A_231 = vector.extract_strided_slice %add3A_212 {offsets = [0, 384], sizes = [1024, 128], strides = [1, 1]} : vector<1024x1024xf32> to vector<1024x128xf32>
    %lt3A_232 = arith.cmpf olt, %slice3A_231, %select_n3A_227 : vector<1024x128xf32>
    %select_n3A_233 = arith.select %lt3A_232, %slice3A_231, %select_n3A_227 : vector<1024x128xi1>, vector<1024x128xf32>
    %jit3A_234 = arith.constant 2.700000e+01 : f32
    %broadcast_in_dim3A_235 = vector.broadcast %jit3A_234 : f32 to vector<1024x128xf32>
    %select_n3A_236 = arith.select %lt3A_232, %broadcast_in_dim3A_235, %select_n3A_230 : vector<1024x128xi1>, vector<1024x128xf32>
    %slice3A_237 = vector.extract_strided_slice %add3A_212 {offsets = [0, 512], sizes = [1024, 128], strides = [1, 1]} : vector<1024x1024xf32> to vector<1024x128xf32>
    %lt3A_238 = arith.cmpf olt, %slice3A_237, %select_n3A_233 : vector<1024x128xf32>
    %select_n3A_239 = arith.select %lt3A_238, %slice3A_237, %select_n3A_233 : vector<1024x128xi1>, vector<1024x128xf32>
    %jit3A_240 = arith.constant 2.800000e+01 : f32
    %broadcast_in_dim3A_241 = vector.broadcast %jit3A_240 : f32 to vector<1024x128xf32>
    %select_n3A_242 = arith.select %lt3A_238, %broadcast_in_dim3A_241, %select_n3A_236 : vector<1024x128xi1>, vector<1024x128xf32>
    %slice3A_243 = vector.extract_strided_slice %add3A_212 {offsets = [0, 640], sizes = [1024, 128], strides = [1, 1]} : vector<1024x1024xf32> to vector<1024x128xf32>
    %lt3A_244 = arith.cmpf olt, %slice3A_243, %select_n3A_239 : vector<1024x128xf32>
    %select_n3A_245 = arith.select %lt3A_244, %slice3A_243, %select_n3A_239 : vector<1024x128xi1>, vector<1024x128xf32>
    %jit3A_246 = arith.constant 2.900000e+01 : f32
    %broadcast_in_dim3A_247 = vector.broadcast %jit3A_246 : f32 to vector<1024x128xf32>
    %select_n3A_248 = arith.select %lt3A_244, %broadcast_in_dim3A_247, %select_n3A_242 : vector<1024x128xi1>, vector<1024x128xf32>
    %slice3A_249 = vector.extract_strided_slice %add3A_212 {offsets = [0, 768], sizes = [1024, 128], strides = [1, 1]} : vector<1024x1024xf32> to vector<1024x128xf32>
    %lt3A_250 = arith.cmpf olt, %slice3A_249, %select_n3A_245 : vector<1024x128xf32>
    %select_n3A_251 = arith.select %lt3A_250, %slice3A_249, %select_n3A_245 : vector<1024x128xi1>, vector<1024x128xf32>
    %jit3A_252 = arith.constant 3.000000e+01 : f32
    %broadcast_in_dim3A_253 = vector.broadcast %jit3A_252 : f32 to vector<1024x128xf32>
    %select_n3A_254 = arith.select %lt3A_250, %broadcast_in_dim3A_253, %select_n3A_248 : vector<1024x128xi1>, vector<1024x128xf32>
    %slice3A_255 = vector.extract_strided_slice %add3A_212 {offsets = [0, 896], sizes = [1024, 128], strides = [1, 1]} : vector<1024x1024xf32> to vector<1024x128xf32>
    %lt3A_256 = arith.cmpf olt, %slice3A_255, %select_n3A_251 : vector<1024x128xf32>
    %select_n3A_257 = arith.select %lt3A_256, %slice3A_255, %select_n3A_251 : vector<1024x128xi1>, vector<1024x128xf32>
    %jit3A_258 = arith.constant 3.100000e+01 : f32
    %broadcast_in_dim3A_259 = vector.broadcast %jit3A_258 : f32 to vector<1024x128xf32>
    %select_n3A_260 = arith.select %lt3A_256, %broadcast_in_dim3A_259, %select_n3A_254 : vector<1024x128xi1>, vector<1024x128xf32>
    %reduce_min3A = arith.constant dense<0x7F800000> : vector<1024xf32>
    %reduce_min3A_261 = vector.multi_reduction <minimumf>, %select_n3A_257, %reduce_min3A [1] : vector<1024x128xf32> to vector<1024xf32>
    %broadcast_in_dim3A_262 = vector.shape_cast %reduce_min3A_261 : vector<1024xf32> to vector<1024x1xf32>
    %eq3A = vector.broadcast %broadcast_in_dim3A_262 : vector<1024x1xf32> to vector<1024x128xf32>
    %eq3A_263 = arith.cmpf oeq, %select_n3A_257, %eq3A : vector<1024x128xf32>
    %mul3A_264 = arith.constant 1.280000e+02 : f32
    %mul3A_265 = vector.broadcast %mul3A_264 : f32 to vector<1024x128xf32>
    %mul3A_266 = arith.mulf %select_n3A_260, %mul3A_265 : vector<1024x128xf32>
    %add3A_267 = arith.addf %mul3A_266, %convert_element_type3A : vector<1024x128xf32>
    %jit3A_268 = arith.constant 8.192000e+03 : f32
    %broadcast_in_dim3A_269 = vector.broadcast %jit3A_268 : f32 to vector<1024x128xf32>
    %select_n3A_270 = arith.select %eq3A_263, %add3A_267, %broadcast_in_dim3A_269 : vector<1024x128xi1>, vector<1024x128xf32>
    %reduce_min3A_271 = arith.constant dense<0x7F800000> : vector<1024xf32>
    %reduce_min3A_272 = vector.multi_reduction <minimumf>, %select_n3A_270, %reduce_min3A_271 [1] : vector<1024x128xf32> to vector<1024xf32>
    %squeeze3A = vector.shape_cast %broadcast_in_dim3A_262 : vector<1024x1xf32> to vector<1024xf32>
    %lt3A_273 = arith.cmpf olt, %squeeze3A, %broadcast_in_dim3A_10 : vector<1024xf32>
    %select_n3A_274 = arith.select %lt3A_273, %squeeze3A, %broadcast_in_dim3A_12 : vector<1024xi1>, vector<1024xf32>
    %convert_element_type3A_275 = arith.fptosi %reduce_min3A_272 : vector<1024xf32> to vector<1024xi32>
    %add3A_276 = arith.constant 0 : i32
    %add3A_277 = vector.broadcast %add3A_276 : i32 to vector<1024xi32>
    %add3A_278 = arith.addi %convert_element_type3A_275, %add3A_277 : vector<1024xi32>
    %select_n3A_279 = arith.select %lt3A_273, %add3A_278, %broadcast_in_dim3A_14 : vector<1024xi1>, vector<1024xi32>
    %select_n3A_280 = arith.select %lt3A_273, %squeeze3A, %broadcast_in_dim3A_10 : vector<1024xi1>, vector<1024xf32>
    %convert_element_type3A_281 = arith.truncf %select_n3A_280 : vector<1024xf32> to vector<1024xbf16>
    %convert_element_type3A_282 = arith.extf %convert_element_type3A_281 : vector<1024xbf16> to vector<1024xf32>
    %broadcast_in_dim3A_283 = arith.constant 0x7F800000 : f32
    %broadcast_in_dim3A_284 = vector.broadcast %broadcast_in_dim3A_283 : f32 to vector<1024x128xf32>
    %broadcast_in_dim3A_285 = arith.constant 0.000000e+00 : f32
    %broadcast_in_dim3A_286 = vector.broadcast %broadcast_in_dim3A_285 : f32 to vector<1024x128xf32>
    %get3A_287 = arith.constant 4096 : index
    %get3A_288 = arith.constant 0 : index
    %get3A_289 = vector.load %arg2[%get3A_287, %get3A_288] : memref<8192x32xf32, #tpu.memory_space<vmem>>, vector<1024x32xf32>
    %get3A_290 = arith.constant 0 : index
    %get3A_291 = arith.constant 4096 : index
    %get3A_292 = vector.load %arg4[%get3A_290, %get3A_291] : memref<1x8192xf32, #tpu.memory_space<vmem>>, vector<1x1024xf32>
    %get3A_293 = vector.shape_cast %get3A_292 : vector<1x1024xf32> to vector<1024xf32>
    %dot_general3A_294 = arith.constant dense<0.000000e+00> : vector<1024x1024xf32>
    %dot_general3A_295 = tpu.matmul %mul3A_3, %get3A_289, %dot_general3A_294 {dimension_numbers = #tpu.dot_dimension_numbers<[1], [1], [0], [0], [0, 0, 1, 0], [], []>, transpose_lhs_hint = false} : vector<1024x32xf32>, vector<1024x32xf32>, vector<1024x1024xf32> -> vector<1024x1024xf32>
    %add3A_296 = vector.broadcast %broadcast_in_dim3A : vector<1024x1xf32> to vector<1024x1024xf32>
    %add3A_297 = arith.addf %add3A_296, %dot_general3A_295 : vector<1024x1024xf32>
    %broadcast_in_dim3A_298 = vector.shape_cast %get3A_293 : vector<1024xf32> to vector<1x1024xf32>
    %add3A_299 = vector.broadcast %broadcast_in_dim3A_298 : vector<1x1024xf32> to vector<1024x1024xf32>
    %add3A_300 = arith.addf %add3A_297, %add3A_299 : vector<1024x1024xf32>
    %slice3A_301 = vector.extract_strided_slice %add3A_300 {offsets = [0, 0], sizes = [1024, 128], strides = [1, 1]} : vector<1024x1024xf32> to vector<1024x128xf32>
    %lt3A_302 = arith.cmpf olt, %slice3A_301, %broadcast_in_dim3A_284 : vector<1024x128xf32>
    %select_n3A_303 = arith.select %lt3A_302, %slice3A_301, %broadcast_in_dim3A_284 : vector<1024x128xi1>, vector<1024x128xf32>
    %jit3A_304 = arith.constant 0.000000e+00 : f32
    %broadcast_in_dim3A_305 = vector.broadcast %jit3A_304 : f32 to vector<1024x128xf32>
    %select_n3A_306 = arith.select %lt3A_302, %broadcast_in_dim3A_305, %broadcast_in_dim3A_286 : vector<1024x128xi1>, vector<1024x128xf32>
    %slice3A_307 = vector.extract_strided_slice %add3A_300 {offsets = [0, 128], sizes = [1024, 128], strides = [1, 1]} : vector<1024x1024xf32> to vector<1024x128xf32>
    %lt3A_308 = arith.cmpf olt, %slice3A_307, %select_n3A_303 : vector<1024x128xf32>
    %select_n3A_309 = arith.select %lt3A_308, %slice3A_307, %select_n3A_303 : vector<1024x128xi1>, vector<1024x128xf32>
    %jit3A_310 = arith.constant 1.000000e+00 : f32
    %broadcast_in_dim3A_311 = vector.broadcast %jit3A_310 : f32 to vector<1024x128xf32>
    %select_n3A_312 = arith.select %lt3A_308, %broadcast_in_dim3A_311, %select_n3A_306 : vector<1024x128xi1>, vector<1024x128xf32>
    %slice3A_313 = vector.extract_strided_slice %add3A_300 {offsets = [0, 256], sizes = [1024, 128], strides = [1, 1]} : vector<1024x1024xf32> to vector<1024x128xf32>
    %lt3A_314 = arith.cmpf olt, %slice3A_313, %select_n3A_309 : vector<1024x128xf32>
    %select_n3A_315 = arith.select %lt3A_314, %slice3A_313, %select_n3A_309 : vector<1024x128xi1>, vector<1024x128xf32>
    %jit3A_316 = arith.constant 2.000000e+00 : f32
    %broadcast_in_dim3A_317 = vector.broadcast %jit3A_316 : f32 to vector<1024x128xf32>
    %select_n3A_318 = arith.select %lt3A_314, %broadcast_in_dim3A_317, %select_n3A_312 : vector<1024x128xi1>, vector<1024x128xf32>
    %slice3A_319 = vector.extract_strided_slice %add3A_300 {offsets = [0, 384], sizes = [1024, 128], strides = [1, 1]} : vector<1024x1024xf32> to vector<1024x128xf32>
    %lt3A_320 = arith.cmpf olt, %slice3A_319, %select_n3A_315 : vector<1024x128xf32>
    %select_n3A_321 = arith.select %lt3A_320, %slice3A_319, %select_n3A_315 : vector<1024x128xi1>, vector<1024x128xf32>
    %jit3A_322 = arith.constant 3.000000e+00 : f32
    %broadcast_in_dim3A_323 = vector.broadcast %jit3A_322 : f32 to vector<1024x128xf32>
    %select_n3A_324 = arith.select %lt3A_320, %broadcast_in_dim3A_323, %select_n3A_318 : vector<1024x128xi1>, vector<1024x128xf32>
    %slice3A_325 = vector.extract_strided_slice %add3A_300 {offsets = [0, 512], sizes = [1024, 128], strides = [1, 1]} : vector<1024x1024xf32> to vector<1024x128xf32>
    %lt3A_326 = arith.cmpf olt, %slice3A_325, %select_n3A_321 : vector<1024x128xf32>
    %select_n3A_327 = arith.select %lt3A_326, %slice3A_325, %select_n3A_321 : vector<1024x128xi1>, vector<1024x128xf32>
    %jit3A_328 = arith.constant 4.000000e+00 : f32
    %broadcast_in_dim3A_329 = vector.broadcast %jit3A_328 : f32 to vector<1024x128xf32>
    %select_n3A_330 = arith.select %lt3A_326, %broadcast_in_dim3A_329, %select_n3A_324 : vector<1024x128xi1>, vector<1024x128xf32>
    %slice3A_331 = vector.extract_strided_slice %add3A_300 {offsets = [0, 640], sizes = [1024, 128], strides = [1, 1]} : vector<1024x1024xf32> to vector<1024x128xf32>
    %lt3A_332 = arith.cmpf olt, %slice3A_331, %select_n3A_327 : vector<1024x128xf32>
    %select_n3A_333 = arith.select %lt3A_332, %slice3A_331, %select_n3A_327 : vector<1024x128xi1>, vector<1024x128xf32>
    %jit3A_334 = arith.constant 5.000000e+00 : f32
    %broadcast_in_dim3A_335 = vector.broadcast %jit3A_334 : f32 to vector<1024x128xf32>
    %select_n3A_336 = arith.select %lt3A_332, %broadcast_in_dim3A_335, %select_n3A_330 : vector<1024x128xi1>, vector<1024x128xf32>
    %slice3A_337 = vector.extract_strided_slice %add3A_300 {offsets = [0, 768], sizes = [1024, 128], strides = [1, 1]} : vector<1024x1024xf32> to vector<1024x128xf32>
    %lt3A_338 = arith.cmpf olt, %slice3A_337, %select_n3A_333 : vector<1024x128xf32>
    %select_n3A_339 = arith.select %lt3A_338, %slice3A_337, %select_n3A_333 : vector<1024x128xi1>, vector<1024x128xf32>
    %jit3A_340 = arith.constant 6.000000e+00 : f32
    %broadcast_in_dim3A_341 = vector.broadcast %jit3A_340 : f32 to vector<1024x128xf32>
    %select_n3A_342 = arith.select %lt3A_338, %broadcast_in_dim3A_341, %select_n3A_336 : vector<1024x128xi1>, vector<1024x128xf32>
    %slice3A_343 = vector.extract_strided_slice %add3A_300 {offsets = [0, 896], sizes = [1024, 128], strides = [1, 1]} : vector<1024x1024xf32> to vector<1024x128xf32>
    %lt3A_344 = arith.cmpf olt, %slice3A_343, %select_n3A_339 : vector<1024x128xf32>
    %select_n3A_345 = arith.select %lt3A_344, %slice3A_343, %select_n3A_339 : vector<1024x128xi1>, vector<1024x128xf32>
    %jit3A_346 = arith.constant 7.000000e+00 : f32
    %broadcast_in_dim3A_347 = vector.broadcast %jit3A_346 : f32 to vector<1024x128xf32>
    %select_n3A_348 = arith.select %lt3A_344, %broadcast_in_dim3A_347, %select_n3A_342 : vector<1024x128xi1>, vector<1024x128xf32>
    %get3A_349 = arith.constant 5120 : index
    %get3A_350 = arith.constant 0 : index
    %get3A_351 = vector.load %arg2[%get3A_349, %get3A_350] : memref<8192x32xf32, #tpu.memory_space<vmem>>, vector<1024x32xf32>
    %get3A_352 = arith.constant 0 : index
    %get3A_353 = arith.constant 5120 : index
    %get3A_354 = vector.load %arg4[%get3A_352, %get3A_353] : memref<1x8192xf32, #tpu.memory_space<vmem>>, vector<1x1024xf32>
    %get3A_355 = vector.shape_cast %get3A_354 : vector<1x1024xf32> to vector<1024xf32>
    %dot_general3A_356 = arith.constant dense<0.000000e+00> : vector<1024x1024xf32>
    %dot_general3A_357 = tpu.matmul %mul3A_3, %get3A_351, %dot_general3A_356 {dimension_numbers = #tpu.dot_dimension_numbers<[1], [1], [0], [0], [0, 0, 1, 0], [], []>, transpose_lhs_hint = false} : vector<1024x32xf32>, vector<1024x32xf32>, vector<1024x1024xf32> -> vector<1024x1024xf32>
    %add3A_358 = vector.broadcast %broadcast_in_dim3A : vector<1024x1xf32> to vector<1024x1024xf32>
    %add3A_359 = arith.addf %add3A_358, %dot_general3A_357 : vector<1024x1024xf32>
    %broadcast_in_dim3A_360 = vector.shape_cast %get3A_355 : vector<1024xf32> to vector<1x1024xf32>
    %add3A_361 = vector.broadcast %broadcast_in_dim3A_360 : vector<1x1024xf32> to vector<1024x1024xf32>
    %add3A_362 = arith.addf %add3A_359, %add3A_361 : vector<1024x1024xf32>
    %slice3A_363 = vector.extract_strided_slice %add3A_362 {offsets = [0, 0], sizes = [1024, 128], strides = [1, 1]} : vector<1024x1024xf32> to vector<1024x128xf32>
    %lt3A_364 = arith.cmpf olt, %slice3A_363, %select_n3A_345 : vector<1024x128xf32>
    %select_n3A_365 = arith.select %lt3A_364, %slice3A_363, %select_n3A_345 : vector<1024x128xi1>, vector<1024x128xf32>
    %jit3A_366 = arith.constant 8.000000e+00 : f32
    %broadcast_in_dim3A_367 = vector.broadcast %jit3A_366 : f32 to vector<1024x128xf32>
    %select_n3A_368 = arith.select %lt3A_364, %broadcast_in_dim3A_367, %select_n3A_348 : vector<1024x128xi1>, vector<1024x128xf32>
    %slice3A_369 = vector.extract_strided_slice %add3A_362 {offsets = [0, 128], sizes = [1024, 128], strides = [1, 1]} : vector<1024x1024xf32> to vector<1024x128xf32>
    %lt3A_370 = arith.cmpf olt, %slice3A_369, %select_n3A_365 : vector<1024x128xf32>
    %select_n3A_371 = arith.select %lt3A_370, %slice3A_369, %select_n3A_365 : vector<1024x128xi1>, vector<1024x128xf32>
    %jit3A_372 = arith.constant 9.000000e+00 : f32
    %broadcast_in_dim3A_373 = vector.broadcast %jit3A_372 : f32 to vector<1024x128xf32>
    %select_n3A_374 = arith.select %lt3A_370, %broadcast_in_dim3A_373, %select_n3A_368 : vector<1024x128xi1>, vector<1024x128xf32>
    %slice3A_375 = vector.extract_strided_slice %add3A_362 {offsets = [0, 256], sizes = [1024, 128], strides = [1, 1]} : vector<1024x1024xf32> to vector<1024x128xf32>
    %lt3A_376 = arith.cmpf olt, %slice3A_375, %select_n3A_371 : vector<1024x128xf32>
    %select_n3A_377 = arith.select %lt3A_376, %slice3A_375, %select_n3A_371 : vector<1024x128xi1>, vector<1024x128xf32>
    %jit3A_378 = arith.constant 1.000000e+01 : f32
    %broadcast_in_dim3A_379 = vector.broadcast %jit3A_378 : f32 to vector<1024x128xf32>
    %select_n3A_380 = arith.select %lt3A_376, %broadcast_in_dim3A_379, %select_n3A_374 : vector<1024x128xi1>, vector<1024x128xf32>
    %slice3A_381 = vector.extract_strided_slice %add3A_362 {offsets = [0, 384], sizes = [1024, 128], strides = [1, 1]} : vector<1024x1024xf32> to vector<1024x128xf32>
    %lt3A_382 = arith.cmpf olt, %slice3A_381, %select_n3A_377 : vector<1024x128xf32>
    %select_n3A_383 = arith.select %lt3A_382, %slice3A_381, %select_n3A_377 : vector<1024x128xi1>, vector<1024x128xf32>
    %jit3A_384 = arith.constant 1.100000e+01 : f32
    %broadcast_in_dim3A_385 = vector.broadcast %jit3A_384 : f32 to vector<1024x128xf32>
    %select_n3A_386 = arith.select %lt3A_382, %broadcast_in_dim3A_385, %select_n3A_380 : vector<1024x128xi1>, vector<1024x128xf32>
    %slice3A_387 = vector.extract_strided_slice %add3A_362 {offsets = [0, 512], sizes = [1024, 128], strides = [1, 1]} : vector<1024x1024xf32> to vector<1024x128xf32>
    %lt3A_388 = arith.cmpf olt, %slice3A_387, %select_n3A_383 : vector<1024x128xf32>
    %select_n3A_389 = arith.select %lt3A_388, %slice3A_387, %select_n3A_383 : vector<1024x128xi1>, vector<1024x128xf32>
    %jit3A_390 = arith.constant 1.200000e+01 : f32
    %broadcast_in_dim3A_391 = vector.broadcast %jit3A_390 : f32 to vector<1024x128xf32>
    %select_n3A_392 = arith.select %lt3A_388, %broadcast_in_dim3A_391, %select_n3A_386 : vector<1024x128xi1>, vector<1024x128xf32>
    %slice3A_393 = vector.extract_strided_slice %add3A_362 {offsets = [0, 640], sizes = [1024, 128], strides = [1, 1]} : vector<1024x1024xf32> to vector<1024x128xf32>
    %lt3A_394 = arith.cmpf olt, %slice3A_393, %select_n3A_389 : vector<1024x128xf32>
    %select_n3A_395 = arith.select %lt3A_394, %slice3A_393, %select_n3A_389 : vector<1024x128xi1>, vector<1024x128xf32>
    %jit3A_396 = arith.constant 1.300000e+01 : f32
    %broadcast_in_dim3A_397 = vector.broadcast %jit3A_396 : f32 to vector<1024x128xf32>
    %select_n3A_398 = arith.select %lt3A_394, %broadcast_in_dim3A_397, %select_n3A_392 : vector<1024x128xi1>, vector<1024x128xf32>
    %slice3A_399 = vector.extract_strided_slice %add3A_362 {offsets = [0, 768], sizes = [1024, 128], strides = [1, 1]} : vector<1024x1024xf32> to vector<1024x128xf32>
    %lt3A_400 = arith.cmpf olt, %slice3A_399, %select_n3A_395 : vector<1024x128xf32>
    %select_n3A_401 = arith.select %lt3A_400, %slice3A_399, %select_n3A_395 : vector<1024x128xi1>, vector<1024x128xf32>
    %jit3A_402 = arith.constant 1.400000e+01 : f32
    %broadcast_in_dim3A_403 = vector.broadcast %jit3A_402 : f32 to vector<1024x128xf32>
    %select_n3A_404 = arith.select %lt3A_400, %broadcast_in_dim3A_403, %select_n3A_398 : vector<1024x128xi1>, vector<1024x128xf32>
    %slice3A_405 = vector.extract_strided_slice %add3A_362 {offsets = [0, 896], sizes = [1024, 128], strides = [1, 1]} : vector<1024x1024xf32> to vector<1024x128xf32>
    %lt3A_406 = arith.cmpf olt, %slice3A_405, %select_n3A_401 : vector<1024x128xf32>
    %select_n3A_407 = arith.select %lt3A_406, %slice3A_405, %select_n3A_401 : vector<1024x128xi1>, vector<1024x128xf32>
    %jit3A_408 = arith.constant 1.500000e+01 : f32
    %broadcast_in_dim3A_409 = vector.broadcast %jit3A_408 : f32 to vector<1024x128xf32>
    %select_n3A_410 = arith.select %lt3A_406, %broadcast_in_dim3A_409, %select_n3A_404 : vector<1024x128xi1>, vector<1024x128xf32>
    %get3A_411 = arith.constant 6144 : index
    %get3A_412 = arith.constant 0 : index
    %get3A_413 = vector.load %arg2[%get3A_411, %get3A_412] : memref<8192x32xf32, #tpu.memory_space<vmem>>, vector<1024x32xf32>
    %get3A_414 = arith.constant 0 : index
    %get3A_415 = arith.constant 6144 : index
    %get3A_416 = vector.load %arg4[%get3A_414, %get3A_415] : memref<1x8192xf32, #tpu.memory_space<vmem>>, vector<1x1024xf32>
    %get3A_417 = vector.shape_cast %get3A_416 : vector<1x1024xf32> to vector<1024xf32>
    %dot_general3A_418 = arith.constant dense<0.000000e+00> : vector<1024x1024xf32>
    %dot_general3A_419 = tpu.matmul %mul3A_3, %get3A_413, %dot_general3A_418 {dimension_numbers = #tpu.dot_dimension_numbers<[1], [1], [0], [0], [0, 0, 1, 0], [], []>, transpose_lhs_hint = false} : vector<1024x32xf32>, vector<1024x32xf32>, vector<1024x1024xf32> -> vector<1024x1024xf32>
    %add3A_420 = vector.broadcast %broadcast_in_dim3A : vector<1024x1xf32> to vector<1024x1024xf32>
    %add3A_421 = arith.addf %add3A_420, %dot_general3A_419 : vector<1024x1024xf32>
    %broadcast_in_dim3A_422 = vector.shape_cast %get3A_417 : vector<1024xf32> to vector<1x1024xf32>
    %add3A_423 = vector.broadcast %broadcast_in_dim3A_422 : vector<1x1024xf32> to vector<1024x1024xf32>
    %add3A_424 = arith.addf %add3A_421, %add3A_423 : vector<1024x1024xf32>
    %slice3A_425 = vector.extract_strided_slice %add3A_424 {offsets = [0, 0], sizes = [1024, 128], strides = [1, 1]} : vector<1024x1024xf32> to vector<1024x128xf32>
    %lt3A_426 = arith.cmpf olt, %slice3A_425, %select_n3A_407 : vector<1024x128xf32>
    %select_n3A_427 = arith.select %lt3A_426, %slice3A_425, %select_n3A_407 : vector<1024x128xi1>, vector<1024x128xf32>
    %jit3A_428 = arith.constant 1.600000e+01 : f32
    %broadcast_in_dim3A_429 = vector.broadcast %jit3A_428 : f32 to vector<1024x128xf32>
    %select_n3A_430 = arith.select %lt3A_426, %broadcast_in_dim3A_429, %select_n3A_410 : vector<1024x128xi1>, vector<1024x128xf32>
    %slice3A_431 = vector.extract_strided_slice %add3A_424 {offsets = [0, 128], sizes = [1024, 128], strides = [1, 1]} : vector<1024x1024xf32> to vector<1024x128xf32>
    %lt3A_432 = arith.cmpf olt, %slice3A_431, %select_n3A_427 : vector<1024x128xf32>
    %select_n3A_433 = arith.select %lt3A_432, %slice3A_431, %select_n3A_427 : vector<1024x128xi1>, vector<1024x128xf32>
    %jit3A_434 = arith.constant 1.700000e+01 : f32
    %broadcast_in_dim3A_435 = vector.broadcast %jit3A_434 : f32 to vector<1024x128xf32>
    %select_n3A_436 = arith.select %lt3A_432, %broadcast_in_dim3A_435, %select_n3A_430 : vector<1024x128xi1>, vector<1024x128xf32>
    %slice3A_437 = vector.extract_strided_slice %add3A_424 {offsets = [0, 256], sizes = [1024, 128], strides = [1, 1]} : vector<1024x1024xf32> to vector<1024x128xf32>
    %lt3A_438 = arith.cmpf olt, %slice3A_437, %select_n3A_433 : vector<1024x128xf32>
    %select_n3A_439 = arith.select %lt3A_438, %slice3A_437, %select_n3A_433 : vector<1024x128xi1>, vector<1024x128xf32>
    %jit3A_440 = arith.constant 1.800000e+01 : f32
    %broadcast_in_dim3A_441 = vector.broadcast %jit3A_440 : f32 to vector<1024x128xf32>
    %select_n3A_442 = arith.select %lt3A_438, %broadcast_in_dim3A_441, %select_n3A_436 : vector<1024x128xi1>, vector<1024x128xf32>
    %slice3A_443 = vector.extract_strided_slice %add3A_424 {offsets = [0, 384], sizes = [1024, 128], strides = [1, 1]} : vector<1024x1024xf32> to vector<1024x128xf32>
    %lt3A_444 = arith.cmpf olt, %slice3A_443, %select_n3A_439 : vector<1024x128xf32>
    %select_n3A_445 = arith.select %lt3A_444, %slice3A_443, %select_n3A_439 : vector<1024x128xi1>, vector<1024x128xf32>
    %jit3A_446 = arith.constant 1.900000e+01 : f32
    %broadcast_in_dim3A_447 = vector.broadcast %jit3A_446 : f32 to vector<1024x128xf32>
    %select_n3A_448 = arith.select %lt3A_444, %broadcast_in_dim3A_447, %select_n3A_442 : vector<1024x128xi1>, vector<1024x128xf32>
    %slice3A_449 = vector.extract_strided_slice %add3A_424 {offsets = [0, 512], sizes = [1024, 128], strides = [1, 1]} : vector<1024x1024xf32> to vector<1024x128xf32>
    %lt3A_450 = arith.cmpf olt, %slice3A_449, %select_n3A_445 : vector<1024x128xf32>
    %select_n3A_451 = arith.select %lt3A_450, %slice3A_449, %select_n3A_445 : vector<1024x128xi1>, vector<1024x128xf32>
    %jit3A_452 = arith.constant 2.000000e+01 : f32
    %broadcast_in_dim3A_453 = vector.broadcast %jit3A_452 : f32 to vector<1024x128xf32>
    %select_n3A_454 = arith.select %lt3A_450, %broadcast_in_dim3A_453, %select_n3A_448 : vector<1024x128xi1>, vector<1024x128xf32>
    %slice3A_455 = vector.extract_strided_slice %add3A_424 {offsets = [0, 640], sizes = [1024, 128], strides = [1, 1]} : vector<1024x1024xf32> to vector<1024x128xf32>
    %lt3A_456 = arith.cmpf olt, %slice3A_455, %select_n3A_451 : vector<1024x128xf32>
    %select_n3A_457 = arith.select %lt3A_456, %slice3A_455, %select_n3A_451 : vector<1024x128xi1>, vector<1024x128xf32>
    %jit3A_458 = arith.constant 2.100000e+01 : f32
    %broadcast_in_dim3A_459 = vector.broadcast %jit3A_458 : f32 to vector<1024x128xf32>
    %select_n3A_460 = arith.select %lt3A_456, %broadcast_in_dim3A_459, %select_n3A_454 : vector<1024x128xi1>, vector<1024x128xf32>
    %slice3A_461 = vector.extract_strided_slice %add3A_424 {offsets = [0, 768], sizes = [1024, 128], strides = [1, 1]} : vector<1024x1024xf32> to vector<1024x128xf32>
    %lt3A_462 = arith.cmpf olt, %slice3A_461, %select_n3A_457 : vector<1024x128xf32>
    %select_n3A_463 = arith.select %lt3A_462, %slice3A_461, %select_n3A_457 : vector<1024x128xi1>, vector<1024x128xf32>
    %jit3A_464 = arith.constant 2.200000e+01 : f32
    %broadcast_in_dim3A_465 = vector.broadcast %jit3A_464 : f32 to vector<1024x128xf32>
    %select_n3A_466 = arith.select %lt3A_462, %broadcast_in_dim3A_465, %select_n3A_460 : vector<1024x128xi1>, vector<1024x128xf32>
    %slice3A_467 = vector.extract_strided_slice %add3A_424 {offsets = [0, 896], sizes = [1024, 128], strides = [1, 1]} : vector<1024x1024xf32> to vector<1024x128xf32>
    %lt3A_468 = arith.cmpf olt, %slice3A_467, %select_n3A_463 : vector<1024x128xf32>
    %select_n3A_469 = arith.select %lt3A_468, %slice3A_467, %select_n3A_463 : vector<1024x128xi1>, vector<1024x128xf32>
    %jit3A_470 = arith.constant 2.300000e+01 : f32
    %broadcast_in_dim3A_471 = vector.broadcast %jit3A_470 : f32 to vector<1024x128xf32>
    %select_n3A_472 = arith.select %lt3A_468, %broadcast_in_dim3A_471, %select_n3A_466 : vector<1024x128xi1>, vector<1024x128xf32>
    %get3A_473 = arith.constant 7168 : index
    %get3A_474 = arith.constant 0 : index
    %get3A_475 = vector.load %arg2[%get3A_473, %get3A_474] : memref<8192x32xf32, #tpu.memory_space<vmem>>, vector<1024x32xf32>
    %get3A_476 = arith.constant 0 : index
    %get3A_477 = arith.constant 7168 : index
    %get3A_478 = vector.load %arg4[%get3A_476, %get3A_477] : memref<1x8192xf32, #tpu.memory_space<vmem>>, vector<1x1024xf32>
    %get3A_479 = vector.shape_cast %get3A_478 : vector<1x1024xf32> to vector<1024xf32>
    %dot_general3A_480 = arith.constant dense<0.000000e+00> : vector<1024x1024xf32>
    %dot_general3A_481 = tpu.matmul %mul3A_3, %get3A_475, %dot_general3A_480 {dimension_numbers = #tpu.dot_dimension_numbers<[1], [1], [0], [0], [0, 0, 1, 0], [], []>, transpose_lhs_hint = false} : vector<1024x32xf32>, vector<1024x32xf32>, vector<1024x1024xf32> -> vector<1024x1024xf32>
    %add3A_482 = vector.broadcast %broadcast_in_dim3A : vector<1024x1xf32> to vector<1024x1024xf32>
    %add3A_483 = arith.addf %add3A_482, %dot_general3A_481 : vector<1024x1024xf32>
    %broadcast_in_dim3A_484 = vector.shape_cast %get3A_479 : vector<1024xf32> to vector<1x1024xf32>
    %add3A_485 = vector.broadcast %broadcast_in_dim3A_484 : vector<1x1024xf32> to vector<1024x1024xf32>
    %add3A_486 = arith.addf %add3A_483, %add3A_485 : vector<1024x1024xf32>
    %slice3A_487 = vector.extract_strided_slice %add3A_486 {offsets = [0, 0], sizes = [1024, 128], strides = [1, 1]} : vector<1024x1024xf32> to vector<1024x128xf32>
    %lt3A_488 = arith.cmpf olt, %slice3A_487, %select_n3A_469 : vector<1024x128xf32>
    %select_n3A_489 = arith.select %lt3A_488, %slice3A_487, %select_n3A_469 : vector<1024x128xi1>, vector<1024x128xf32>
    %jit3A_490 = arith.constant 2.400000e+01 : f32
    %broadcast_in_dim3A_491 = vector.broadcast %jit3A_490 : f32 to vector<1024x128xf32>
    %select_n3A_492 = arith.select %lt3A_488, %broadcast_in_dim3A_491, %select_n3A_472 : vector<1024x128xi1>, vector<1024x128xf32>
    %slice3A_493 = vector.extract_strided_slice %add3A_486 {offsets = [0, 128], sizes = [1024, 128], strides = [1, 1]} : vector<1024x1024xf32> to vector<1024x128xf32>
    %lt3A_494 = arith.cmpf olt, %slice3A_493, %select_n3A_489 : vector<1024x128xf32>
    %select_n3A_495 = arith.select %lt3A_494, %slice3A_493, %select_n3A_489 : vector<1024x128xi1>, vector<1024x128xf32>
    %jit3A_496 = arith.constant 2.500000e+01 : f32
    %broadcast_in_dim3A_497 = vector.broadcast %jit3A_496 : f32 to vector<1024x128xf32>
    %select_n3A_498 = arith.select %lt3A_494, %broadcast_in_dim3A_497, %select_n3A_492 : vector<1024x128xi1>, vector<1024x128xf32>
    %slice3A_499 = vector.extract_strided_slice %add3A_486 {offsets = [0, 256], sizes = [1024, 128], strides = [1, 1]} : vector<1024x1024xf32> to vector<1024x128xf32>
    %lt3A_500 = arith.cmpf olt, %slice3A_499, %select_n3A_495 : vector<1024x128xf32>
    %select_n3A_501 = arith.select %lt3A_500, %slice3A_499, %select_n3A_495 : vector<1024x128xi1>, vector<1024x128xf32>
    %jit3A_502 = arith.constant 2.600000e+01 : f32
    %broadcast_in_dim3A_503 = vector.broadcast %jit3A_502 : f32 to vector<1024x128xf32>
    %select_n3A_504 = arith.select %lt3A_500, %broadcast_in_dim3A_503, %select_n3A_498 : vector<1024x128xi1>, vector<1024x128xf32>
    %slice3A_505 = vector.extract_strided_slice %add3A_486 {offsets = [0, 384], sizes = [1024, 128], strides = [1, 1]} : vector<1024x1024xf32> to vector<1024x128xf32>
    %lt3A_506 = arith.cmpf olt, %slice3A_505, %select_n3A_501 : vector<1024x128xf32>
    %select_n3A_507 = arith.select %lt3A_506, %slice3A_505, %select_n3A_501 : vector<1024x128xi1>, vector<1024x128xf32>
    %jit3A_508 = arith.constant 2.700000e+01 : f32
    %broadcast_in_dim3A_509 = vector.broadcast %jit3A_508 : f32 to vector<1024x128xf32>
    %select_n3A_510 = arith.select %lt3A_506, %broadcast_in_dim3A_509, %select_n3A_504 : vector<1024x128xi1>, vector<1024x128xf32>
    %slice3A_511 = vector.extract_strided_slice %add3A_486 {offsets = [0, 512], sizes = [1024, 128], strides = [1, 1]} : vector<1024x1024xf32> to vector<1024x128xf32>
    %lt3A_512 = arith.cmpf olt, %slice3A_511, %select_n3A_507 : vector<1024x128xf32>
    %select_n3A_513 = arith.select %lt3A_512, %slice3A_511, %select_n3A_507 : vector<1024x128xi1>, vector<1024x128xf32>
    %jit3A_514 = arith.constant 2.800000e+01 : f32
    %broadcast_in_dim3A_515 = vector.broadcast %jit3A_514 : f32 to vector<1024x128xf32>
    %select_n3A_516 = arith.select %lt3A_512, %broadcast_in_dim3A_515, %select_n3A_510 : vector<1024x128xi1>, vector<1024x128xf32>
    %slice3A_517 = vector.extract_strided_slice %add3A_486 {offsets = [0, 640], sizes = [1024, 128], strides = [1, 1]} : vector<1024x1024xf32> to vector<1024x128xf32>
    %lt3A_518 = arith.cmpf olt, %slice3A_517, %select_n3A_513 : vector<1024x128xf32>
    %select_n3A_519 = arith.select %lt3A_518, %slice3A_517, %select_n3A_513 : vector<1024x128xi1>, vector<1024x128xf32>
    %jit3A_520 = arith.constant 2.900000e+01 : f32
    %broadcast_in_dim3A_521 = vector.broadcast %jit3A_520 : f32 to vector<1024x128xf32>
    %select_n3A_522 = arith.select %lt3A_518, %broadcast_in_dim3A_521, %select_n3A_516 : vector<1024x128xi1>, vector<1024x128xf32>
    %slice3A_523 = vector.extract_strided_slice %add3A_486 {offsets = [0, 768], sizes = [1024, 128], strides = [1, 1]} : vector<1024x1024xf32> to vector<1024x128xf32>
    %lt3A_524 = arith.cmpf olt, %slice3A_523, %select_n3A_519 : vector<1024x128xf32>
    %select_n3A_525 = arith.select %lt3A_524, %slice3A_523, %select_n3A_519 : vector<1024x128xi1>, vector<1024x128xf32>
    %jit3A_526 = arith.constant 3.000000e+01 : f32
    %broadcast_in_dim3A_527 = vector.broadcast %jit3A_526 : f32 to vector<1024x128xf32>
    %select_n3A_528 = arith.select %lt3A_524, %broadcast_in_dim3A_527, %select_n3A_522 : vector<1024x128xi1>, vector<1024x128xf32>
    %slice3A_529 = vector.extract_strided_slice %add3A_486 {offsets = [0, 896], sizes = [1024, 128], strides = [1, 1]} : vector<1024x1024xf32> to vector<1024x128xf32>
    %lt3A_530 = arith.cmpf olt, %slice3A_529, %select_n3A_525 : vector<1024x128xf32>
    %select_n3A_531 = arith.select %lt3A_530, %slice3A_529, %select_n3A_525 : vector<1024x128xi1>, vector<1024x128xf32>
    %jit3A_532 = arith.constant 3.100000e+01 : f32
    %broadcast_in_dim3A_533 = vector.broadcast %jit3A_532 : f32 to vector<1024x128xf32>
    %select_n3A_534 = arith.select %lt3A_530, %broadcast_in_dim3A_533, %select_n3A_528 : vector<1024x128xi1>, vector<1024x128xf32>
    %reduce_min3A_535 = arith.constant dense<0x7F800000> : vector<1024xf32>
    %reduce_min3A_536 = vector.multi_reduction <minimumf>, %select_n3A_531, %reduce_min3A_535 [1] : vector<1024x128xf32> to vector<1024xf32>
    %broadcast_in_dim3A_537 = vector.shape_cast %reduce_min3A_536 : vector<1024xf32> to vector<1024x1xf32>
    %eq3A_538 = vector.broadcast %broadcast_in_dim3A_537 : vector<1024x1xf32> to vector<1024x128xf32>
    %eq3A_539 = arith.cmpf oeq, %select_n3A_531, %eq3A_538 : vector<1024x128xf32>
    %mul3A_540 = arith.constant 1.280000e+02 : f32
    %mul3A_541 = vector.broadcast %mul3A_540 : f32 to vector<1024x128xf32>
    %mul3A_542 = arith.mulf %select_n3A_534, %mul3A_541 : vector<1024x128xf32>
    %add3A_543 = arith.addf %mul3A_542, %convert_element_type3A : vector<1024x128xf32>
    %jit3A_544 = arith.constant 8.192000e+03 : f32
    %broadcast_in_dim3A_545 = vector.broadcast %jit3A_544 : f32 to vector<1024x128xf32>
    %select_n3A_546 = arith.select %eq3A_539, %add3A_543, %broadcast_in_dim3A_545 : vector<1024x128xi1>, vector<1024x128xf32>
    %reduce_min3A_547 = arith.constant dense<0x7F800000> : vector<1024xf32>
    %reduce_min3A_548 = vector.multi_reduction <minimumf>, %select_n3A_546, %reduce_min3A_547 [1] : vector<1024x128xf32> to vector<1024xf32>
    %squeeze3A_549 = vector.shape_cast %broadcast_in_dim3A_537 : vector<1024x1xf32> to vector<1024xf32>
    %lt3A_550 = arith.cmpf olt, %squeeze3A_549, %convert_element_type3A_282 : vector<1024xf32>
    %select_n3A_551 = arith.select %lt3A_550, %squeeze3A_549, %select_n3A_274 : vector<1024xi1>, vector<1024xf32>
    %convert_element_type3A_552 = arith.fptosi %reduce_min3A_548 : vector<1024xf32> to vector<1024xi32>
    %add3A_553 = arith.constant 4096 : i32
    %add3A_554 = vector.broadcast %add3A_553 : i32 to vector<1024xi32>
    %add3A_555 = arith.addi %convert_element_type3A_552, %add3A_554 : vector<1024xi32>
    %select_n3A_556 = arith.select %lt3A_550, %add3A_555, %select_n3A_279 : vector<1024xi1>, vector<1024xi32>
    %swap3A = arith.constant 0 : index
    %swap3A_557 = arith.constant 0 : index
    %swap3A_558 = arith.constant 0 : index
    %swap3A_559 = vector.load %arg5[%swap3A, %swap3A_557, %swap3A_558] : memref<1x1x1024xi32, #tpu.memory_space<vmem>>, vector<1x1x1024xi32>
    %swap3A_560 = vector.shape_cast %swap3A_559 : vector<1x1x1024xi32> to vector<1024xi32>
    %swap3A_561 = vector.shape_cast %select_n3A_556 : vector<1024xi32> to vector<1x1x1024xi32>
    tpu.vector_store %arg5[%swap3A, %swap3A_557, %swap3A_558], %swap3A_561 {strides = array<i32>} : memref<1x1x1024xi32, #tpu.memory_space<vmem>>, vector<1x1x1024xi32>,
    %eq3A_562 = arith.constant 0 : i32
    %eq3A_563 = arith.cmpi eq, %arg0, %eq3A_562 : i32
    %convert_element_type3A_564 = arith.extui %eq3A_563 : i1 to i32
    %cond3A = arith.constant 0 : i32
    %cond3A_565 = arith.cmpi ne, %convert_element_type3A_564, %cond3A : i32
    scf.if %cond3A_565 {
      %broadcast_in_dim3A_577 = arith.constant 0.000000e+00 : f32
      %broadcast_in_dim3A_578 = vector.broadcast %broadcast_in_dim3A_577 : f32 to vector<1x1xf32>
      %swap3A_579 = arith.constant 0 : index
      %swap3A_580 = arith.constant 0 : index
      %swap3A_581 = vector.load %arg6[%swap3A_579, %swap3A_580] : memref<1x1xf32, #tpu.memory_space<vmem>>, vector<1x1xf32>
      tpu.vector_store %arg6[%swap3A_579, %swap3A_580], %broadcast_in_dim3A_578 {strides = array<i32>} : memref<1x1xf32, #tpu.memory_space<vmem>>, vector<1x1xf32>,
    } else {
    }
    %get3A_566 = arith.constant 0 : index
    %get3A_567 = arith.constant 0 : index
    %get3A_568 = vector.load %arg6[%get3A_566, %get3A_567] : memref<1x1xf32, #tpu.memory_space<vmem>>, vector<1x1xf32>
    %reduce_sum3A = vector.shape_cast %select_n3A_551 : vector<1024xf32> to vector<1x1024xf32>
    %reduce_sum3A_569 = arith.constant dense<0.000000e+00> : vector<1xf32>
    %reduce_sum3A_570 = vector.multi_reduction <add>, %reduce_sum3A, %reduce_sum3A_569 [1] : vector<1x1024xf32> to vector<1xf32>
    %reduce_sum3A_571 = vector.shape_cast %reduce_sum3A_570 : vector<1xf32> to vector<1x1xf32>
    %reduce_sum3A_572 = vector.extract %reduce_sum3A_571[0, 0] : f32 from vector<1x1xf32>
    %reshape3A = vector.broadcast %reduce_sum3A_572 : f32 to vector<1x1xf32>
    %add3A_573 = arith.addf %get3A_568, %reshape3A : vector<1x1xf32>
    %swap3A_574 = arith.constant 0 : index
    %swap3A_575 = arith.constant 0 : index
    %swap3A_576 = vector.load %arg6[%swap3A_574, %swap3A_575] : memref<1x1xf32, #tpu.memory_space<vmem>>, vector<1x1xf32>
    tpu.vector_store %arg6[%swap3A_574, %swap3A_575], %add3A_573 {strides = array<i32>} : memref<1x1xf32, #tpu.memory_space<vmem>>, vector<1x1xf32>,
    return
  }
  func.func @transform_0(%arg0: i32) -> (i32, i32) {
    %c0_i32 = arith.constant 0 : i32
    %c0_i32_0 = arith.constant 0 : i32
    return %arg0, %c0_i32 : i32, i32
  }
  func.func @transform_1(%arg0: i32) -> (i32, i32) {
    %c0_i32 = arith.constant 0 : i32
    %c0_i32_0 = arith.constant 0 : i32
    %c0_i32_1 = arith.constant 0 : i32
    return %c0_i32, %c0_i32_0 : i32, i32
  }
  func.func @transform_2(%arg0: i32) -> (i32, i32, i32) {
    %c0_i32 = arith.constant 0 : i32
    %c0_i32_0 = arith.constant 0 : i32
    %c0_i32_1 = arith.constant 0 : i32
    return %arg0, %c0_i32, %c0_i32_0 : i32, i32, i32
  }
  func.func @transform_3(%arg0: i32) -> (i32, i32) {
    %c0_i32 = arith.constant 0 : i32
    %c0_i32_0 = arith.constant 0 : i32
    %c0_i32_1 = arith.constant 0 : i32
    return %c0_i32, %c0_i32_0 : i32, i32
  }
  func.func @transform_4(%arg0: i32) -> (i32, i32, i32) {
    %c0_i32 = arith.constant 0 : i32
    %c0_i32_0 = arith.constant 0 : i32
    %c0_i32_1 = arith.constant 0 : i32
    return %arg0, %c0_i32, %c0_i32_0 : i32, i32, i32
  }
  func.func @transform_5(%arg0: i32) -> (i32, i32) {
    %c0_i32 = arith.constant 0 : i32
    %c0_i32_0 = arith.constant 0 : i32
    %c0_i32_1 = arith.constant 0 : i32
    return %c0_i32, %c0_i32_0 : i32, i32
  }
}

</mosaic_0001>

<sc_bundles>
// kernel: kernel.4.cloned.1.call-start
scs
__scs_entry_jumppad:
0x0: {  	(pc) =	sbr.rel $0x88, $3  }
0x1: {  	(tag) =	ssettag $0x0;
	lr =	simm.s32 $0x1  }
0x2: {  	[smem:$0x3F9F] =	sst lr;
	_ =	strace $0xD0000000  }
0x3: {  	_ = 	snop  }
0x4: {  	_ = 	snop  }
0x5: {  	_ = 	snop  }
0x6: {  	_ = 	snop  }
0x7: {  	_ = 	snop  }
__scs_overlays_trampoline_lowered:
0x8: {  	[smem:$0x3FAE] =	sst s0  }
0x9: {  	[smem:$0x3FAF] =	sst s1  }
0xa: {  	[smem:$0x3FB0] =	sst s2  }
0xb: {  	[smem:$0x3FB1] =	sst s3  }
0xc: {  	[smem:$0x3FB2] =	sst s4  }
0xd: {  	[smem:$0x3FB3] =	sst s5  }
0xe: {  	[smem:$0x3FB4] =	sst s6  }
0xf: {  	[smem:$0x3FB5] =	sst s7  }
0x10: {  	[smem:$0x3FB6] =	sst s8  }
0x11: {  	[smem:$0x3FB7] =	sst s9;
	s0 =	simm.s32 @!p0 $0x0  }
0x12: {  	s1 =	sld [smem:$0x3F9D];
	s0 =	simm.s32 @p0 $0x1  }
0x13: {  	[smem:$0x3FB8] =	sst s0;
	s0 =	simm.s32 @!p1 $0x0  }
0x14: {  	s2 =	sld [smem:$0x3F9C];
	s0 =	simm.s32 @p1 $0x1  }
0x15: {  	[smem:$0x3FB9] =	sst s0;
	s0 =	simm.s32 @!p2 $0x0  }
0x16: {  	s3 =	sld [smem:$0x3FDB];
	s0 =	simm.s32 @p2 $0x1  }
0x17: {  	s4 =	simm.s32 $0x1BF5;
	[smem:$0x3FBB] =	sst s0  }
0x18: {  	s0 =	sld [smem:$0x3F9E];
	_ =	swait.ge [sflag:s4], $0x0  }
0x19: {  	s7 =	sld [smem:$0x3F9F]  }
0x1a: {  	s8 =	sadd.s32 $0xFFFFE003, lr  }
0x1b: {  	s9 =	sadd.s32 $0xFFFFFEF7, lr;
	s5 =	simm.s32 $0xFFFFFFFF;
	p2 =	slt.u32 s8, $0xFFFFF086  }
0x1c: {  	p1 =	slt.u32 s9, $0xF7A;
	s5 =	simm.s32 @!p2 $0x0  }
0x1d: {  	s5 =	simm.s32 @p1 $0x1;
	p0 =	seq.s32 s7, s2  }
0x1e: {  	s7 =	smul.u32 @!p0 $0xF7A, s2;
	p2 =	seq.s32 @!p0 s5, $0x0  }
0x1f: {  	s9 =	smul.u32 $0xF7A, s1;
	s8 =	simm.s32 @!p0 $0x1BF5;
	p2 =	por !p2, p0  }
0x20: {  	[sflag:s8] =	ssyncset.s32 @!p0 $0xFFFFF086;
	s6 =	sadd.s32 @!p0 s3, s7;
	s7 =	simm.s32 @!p0 $0x108  }
0x21: {  	s3 =	sadd.s32 s3, s9;
	s6 =	sadd.s32 @!p0 $0x88, s6;
	s7 =	simm.s32 @p2 $0x1082  }
0x22: {  	[simem:s7], [sflag:s8] =	dma.local @!p0 [hbm:s6], $0xF7A  }
0x23: {  	s9 =	sor.u32 $0xD0000000, s2;
	s6 =	simm.s32 $0x108;
	_ =	swait.ge @!p0 [sflag:s8], $0x0  }
0x24: {  	s3 =	sadd.s32 $0x88, s3;
	s6 =	simm.s32 @!p1 $0x1082;
	[sflag:s4] =	ssyncset.s32 $0xFFFFF086  }
0x25: {  	[simem:s6], [sflag:s4] =	dma.local [hbm:s3], $0xF7A  }
0x26: {  	[smem:$0x3F9F] =	sst s1;
	(tag) =	ssettag s2;
	_ =	strace s9  }
0x27: {  	s1 =	sld [smem:$0x3FAF]  }
0x28: {  	s2 =	sld [smem:$0x3FB0]  }
0x29: {  	s4 =	sld [smem:$0x3FB2]  }
0x2a: {  	p0 =	seq.s32 s5, $0x0;
	s5 =	sld [smem:$0x3FB3]  }
0x2b: {  	s6 =	sld [smem:$0x3FB4]  }
0x2c: {  	s7 =	sld [smem:$0x3FB5]  }
0x2d: {  	s3 =	simm.s32 $0x108;
	s8 =	sld [smem:$0x3FB6]  }
0x2e: {  	s3 =	simm.s32 @!p0 $0x1082;
	s9 =	sld [smem:$0x3FB7]  }
0x2f: {  	lr =	sadd.s32 s0, s3;
	s0 =	sld [smem:$0x3FAE]  }
0x30: {  	s3 =	sld [smem:$0x3FB1]  }
0x31: {  	[smem:$0x3FBA] =	sst s10  }
0x32: {  	s10 =	sld [smem:$0x3FB8];
	_ =	sdelay $0x3  }
0x33: {  	p0 =	seq.s32 s10, $0x1;
	s10 =	sld [smem:$0x3FBA];
	_ =	sdelay $0x3  }
0x34: {  	[smem:$0x3FBA] =	sst s10  }
0x35: {  	s10 =	sld [smem:$0x3FB9];
	_ =	sdelay $0x3  }
0x36: {  	p1 =	seq.s32 s10, $0x1;
	s10 =	sld [smem:$0x3FBA];
	_ =	sdelay $0x3  }
0x37: {  	[smem:$0x3FBA] =	sst s10  }
0x38: {  	s10 =	sld [smem:$0x3FBB]  }
0x39: {  	_ = 	snop;
	(pc) =	sbr.ind lr, $3  }
0x3a: {  	_ = 	snop  }
0x3b: {  	_ = 	snop  }
0x3c: {  	p2 =	seq.s32 s10, $0x1;
	s10 =	sld [smem:$0x3FBA]  }
0x3d: {  	_ =	shalt  }
0x3e: {  	_ =	shalt  }
0x3f: {  	_ =	shalt  }
0x40: {  	_ =	shalt  }
0x41: {  	_ =	shalt  }
0x42: {  	_ =	shalt  }
0x43: {  	_ =	shalt  }
0x44: {  	_ =	shalt  }
0x45: {  	_ =	shalt  }
0x46: {  	_ =	shalt  }
0x47: {  	_ =	shalt  }
0x48: {  	_ =	shalt  }
0x49: {  	_ =	shalt  }
0x4a: {  	_ =	shalt  }
0x4b: {  	_ =	shalt  }
0x4c: {  	_ =	shalt  }
0x4d: {  	_ =	shalt  }
0x4e: {  	_ =	shalt  }
0x4f: {  	_ =	shalt  }
0x50: {  	_ =	shalt  }
0x51: {  	_ =	shalt  }
0x52: {  	_ =	shalt  }
0x53: {  	_ =	shalt  }
0x54: {  	_ =	shalt  }
0x55: {  	_ =	shalt  }
0x56: {  	_ =	shalt  }
0x57: {  	_ =	shalt  }
0x58: {  	_ =	shalt  }
0x59: {  	_ =	shalt  }
0x5a: {  	_ =	shalt  }
0x5b: {  	_ =	shalt  }
0x5c: {  	_ =	shalt  }
0x5d: {  	_ =	shalt  }
0x5e: {  	_ =	shalt  }
0x5f: {  	_ =	shalt  }
0x60: {  	_ =	shalt  }
0x61: {  	_ =	shalt  }
0x62: {  	_ =	shalt  }
0x63: {  	_ =	shalt  }
0x64: {  	_ =	shalt  }
0x65: {  	_ =	shalt  }
0x66: {  	_ =	shalt  }
0x67: {  	_ =	shalt  }
0x68: {  	_ =	shalt  }
0x69: {  	_ =	shalt  }
0x6a: {  	_ =	shalt  }
0x6b: {  	_ =	shalt  }
0x6c: {  	_ =	shalt  }
0x6d: {  	_ =	shalt  }
0x6e: {  	_ =	shalt  }
0x6f: {  	_ =	shalt  }
0x70: {  	_ =	shalt  }
0x71: {  	_ =	shalt  }
0x72: {  	_ =	shalt  }
0x73: {  	_ =	shalt  }
0x74: {  	_ =	shalt  }
0x75: {  	_ =	shalt  }
0x76: {  	_ =	shalt  }
0x77: {  	_ =	shalt  }
0x78: {  	_ =	shalt  }
0x79: {  	_ =	shalt  }
0x7a: {  	_ =	shalt  }
0x7b: {  	_ =	shalt  }
0x7c: {  	_ =	shalt  }
0x7d: {  	_ =	shalt  }
0x7e: {  	_ =	shalt  }
0x7f: {  	_ =	shalt  }
0x80: {  	_ =	shalt  }
0x81: {  	_ =	shalt  }
0x82: {  	_ =	shalt  }
0x83: {  	_ =	shalt  }
0x84: {  	_ =	shalt  }
0x85: {  	_ =	shalt  }
0x86: {  	_ =	shalt  }
0x87: {  	_ =	shalt  }
.Lfunc_end0:
.L_simem_size_0:
called_computation_lowered:
.L_overlay_start_0:
0x88: {  	s2 =	sld [smem:$0x3FD9]  }
0x89: {  	s3 =	sld [smem:$0x3FFE];
	_ =	sdelay $0x1  }
0x8a: {  	s1 =	srdreg.scid  }
0x8b: {  	s0 =	sand.u32 $0x1, s1  }
0x8c: {  	s14 =	sshll.u32 s0, $0xA;
	s2 =	sadd.s32 s3, s2  }
0x8d: {  	s2 =	sadd.s32 s2, s14  }
0x8e: {  	[smem:$0x3FC6] =	sst s2  }
0x8f: {  	_ = 	snop  }
0x90: {  	s2 =	sld [smem:$0x3FD0];
	_ =	sdelay $0x2  }
0x91: {  	s15 =	simm.s32 $0xA;
	s4 =	simm.s32 $0x10  }
0x92: {  	[smem:s4], [sflag:s15] =	dma.local [hbm:s2], $0x1  }
0x93: {  	_ =	swait.eq [sflag:s15], $0x1  }
0x94: {  	[sflag:s15] =	ssyncset.done $0x0  }
0x95: {  	[sflag:s15] =	ssyncadd.s32 $0xFFFFFFFF  }
0x96: {  	s16 =	sld [smem:$0x10];
	(tm) =	ssettm $0x1  }
0x97: {  	s17 =	sld [smem:$0x3FFB];
	_ =	sdelay $0x3  }
0x98: {  	_ =	strace s17  }
0x99: {  	s3 =	sld [smem:$0x3FFC];
	_ =	sdelay $0x3  }
0x9a: {  	_ =	strace s3  }
0x9b: {  	s3 =	sld [smem:$0x3FFD];
	_ =	sdelay $0x3  }
0x9c: {  	_ =	strace s3  }
0x9d: {  	_ =	strace $0x8FFFFFFF  }
0x9e: {  	s18 =	sld [smem:$0x3FDB];
	_ =	sdelay $0x1  }
0x9f: {  	s19 =	simm.s32 $_scs_section_size  }
0xa0: {  	s5 =	simm.s32 $_size__tile_overlayer_lowered;
	s6 =	simm.s32 $_tile_overlayer_lowered  }
0xa1: {  	s22 =	simm.s32 $0x1BFF;
	s21 =	sshll.u32 s6, $0x1;
	s3 =	sadd.s32 s19, s18  }
0xa2: {  	s7 =	simm.s32 $0x0;
	s20 =	sshll.u32 s5, $0x1;
	s5 =	sadd.s32 s21, s3  }
0xa3: {  	[timem:s7], [sflag:s22] =	dma.local [hbm:s5], s20  }
0xa4: {  	_ =	swait.ge [sflag:s22], s20  }
0xa5: {  	s4 =	ssub.s32 $0x0, s20;
	[sflag:s22] =	ssyncset.done $0x0  }
0xa6: {  	[sflag:s22] =	ssyncadd.s32 s4;
	_ =	sdelay $0x1  }
0xa7: {  	s23 =	simm.s32 $0x1B8B  }
0xa8: {  	_ =	swait.ge [sflag:s23], $0x1  }
0xa9: {  	[sflag:s23] =	ssyncset.done $0x0  }
0xaa: {  	s25 =	simm.s32 $0x1B8E;
	s24 =	sld [smem:$0x3FFE];
	[sflag:s23] =	ssyncadd.s32 $0xFFFFFFFF  }
0xab: {  	s26 =	simm.s32 $execute0_lowered;
	[smem:$0x3FD2] =	sst s25  }
0xac: {  	s5 =	sshll.u32 s26, $0x1;
	_ =	strace $0x80000046;
	[dreg:$0x1] =	wrdreg $0xFFFFFFFF  }
0xad: {  	s28 =	simm.s32 $_size_execute0_lowered;
	s3 =	sadd.s32 s3, s5;
	[dreg:$0x0] =	wrdreg $0x0  }
0xae: {  	s5 =	sshll.u32 s28, $0x1;
	[dreg:$0x2] =	wrdreg s3  }
0xaf: {  	[dreg:$0x3] =	wrdreg s5  }
0xb0: {  	[dreg:$0x4] =	wrdreg $0xC0  }
0xb1: {  	_ =	task [dreg:s7], $0x5FFFF  }
0xb2: {  	[dreg:$0x1] =	wrdreg $0xFFFFFFFF  }
0xb3: {  	[dreg:$0x0] =	wrdreg $0x60  }
0xb4: {  	[dreg:$0x2] =	wrdreg s16  }
0xb5: {  	[dreg:$0x3] =	wrdreg s24  }
0xb6: {  	[dreg:$0x4] =	wrdreg $0x9  }
0xb7: {  	_ =	task.clear_ibuf [dreg:s7], $0x5FFFF;
	_ =	strace $0x90000046  }
0xb8: {  	s29 =	simm.s32 $0x9;
	_ =	strace $0x80000048  }
0xb9: {  	_ =	swait.ge [sflag:s29], $0x1  }
0xba: {  	[sflag:s29] =	ssyncadd.s32 $0xFFFFFFFF  }
0xbb: {  	_ =	strace $0x90000048  }
0xbc: {  	_ =	sfence  }
0xbd: {  	s30 =	sld [smem:$0x0];
	_ =	sdelay $0x2  }
0xbe: {  	s31 =	sshll.u32 s1, $0xD;
	s1 =	sshrl.u32 s1, $0x2  }
0xbf: {  	s3 =	sand.u32 $0x4000, s31;
	s1 =	sadd.s32 s1, s30  }
0xc0: {  	s0 =	sor.u32 s3, s0;
	s1 =	sshll.u32 s1, $0x11  }
0xc1: {  	s0 =	sor.u32 s1, s0  }
0xc2: {  	s0 =	sadd.s32 $0x8F2B, s0  }
0xc3: {  	[sflag:s0] =	ssyncadd.remote.s32 $0x1  }
0xc4: {  	_ =	sfence.sel $0xFFFF  }
0xc5: {  	[dreg:$0x0] =	wrdreg $0xFFFFFFFF;
	(pc) =	sbr.abs _section_cstart, $3  }
0xc6: {  	[dreg:$0x1] =	wrdreg $0xFFFFFFFF  }
0xc7: {  	_ =	task.clear_ibuf [dreg:s7], $0x2FFFF;
	_ =	strace $0x9FFFFFFF  }
0xc8: {  	(tm) =	ssettm $0x7FFFFFFF  }
0xc9: {  	_ =	shalt  }
tec
execute0_lowered:
.L_overlay_start_1:
0x0: {  	(tag) =	ssettag $0x1  }
0x1: {  	s1 =	srdreg.scid  }
0x2: {  	s0 =	stileid.u32;
	s24 =	sand.u32 $0x1, s1  }
0x3: {  	s2 =	rddreg [dreg:$0x0];
	s30 =	sshll.u32 s0, $0xB;
	s3 =	sshll.u32 s24, $0xA  }
0x4: {  	s10 =	rddreg [dreg:$0x1];
	s11 =	sor.u32 s3, s30  }
0x5: {  	s1 =	rddreg [dreg:$0x2];
	s3 =	simm.s32 $0x0;
	s4 =	sshrl.u32 s11, $0x3  }
0x6: {  	[smem:$0x7FF] =	sst s3;
	s4 =	sadd.s32 s4, s10  }
0x7: {  	_ =	strace $0x80000047;
	s5 =	sadd.s32 $0x400, s4;
	s4 =	simm.s32 $0x3  }
0x8: {  	[tilespmem:s3], [sflag:$0x3] =	stream.linear.gather [hbm4b:s5+s3], $0x400, $0x38;
	[tilespmem:$0x8400] =	vst v63  }
0x9: {  	_ =	swait.ge [sflag:s4], $0x400  }
0xa: {  	[sflag:s4] =	ssyncset.done $0x0  }
0xb: {  	s6 =	simm.s32 $0x80;
	s7 =	simm.s32 $0x400;
	[sflag:s4] =	ssyncadd.s32 $0xFFFFFC00  }
0xc: {  	[tilespmem:s7], [sflag:$0x1] =	stream.indirect.gather [hbm4b:s2+s6], $0x80, s3, s6, $0xb8;
	[tilespmem:$0x8400] =	vst v63  }
0xd: {  	s8 =	simm.s32 $0x4400;
	s9 =	simm.s32 $0x1  }
0xe: {  	[tilespmem:s8], [sflag:$0x2] =	stream.indirect.gather [hbm4b:s2+s6], $0x80, s6, s6, $0xb8;
	[tilespmem:$0x8400] =	vst v63  }
0xf: {  	s11 =	sshll.u32 s11, $0x4;
	_ =	swait.ge [sflag:s9], $0x4000  }
0x10: {  	s25 =	sadd.s32 s11, s10;
	[sflag:s9] =	ssyncset.done $0x0  }
0x11: {  	s10 =	sadd.s32 $0x1400, s25;
	[sflag:s9] =	ssyncadd.s32 $0xFFFFC000  }
0x12: {  	[hbm4b:s10+s3] =	stream.linear.scatter [tilespmem:s7], [sflag:$0x3], $0x4000, $0x38;
	[tilespmem:$0x8400] =	vst v63  }
0x13: {  	_ =	swait.ge [sflag:s4], $0x4000  }
0x14: {  	[sflag:s4] =	ssyncset.done $0x0  }
0x15: {  	s12 =	simm.s32 $0x2;
	s11 =	simm.s32 $0x100;
	[sflag:s4] =	ssyncadd.s32 $0xFFFFC000  }
0x16: {  	[tilespmem:s7], [sflag:$0x1] =	stream.indirect.gather [hbm4b:s2+s6], $0x80, s11, s6, $0xb8;
	[tilespmem:$0x8400] =	vst v63  }
0x17: {  	_ =	swait.ge [sflag:s12], $0x4000  }
0x18: {  	[sflag:s12] =	ssyncset.done $0x0  }
0x19: {  	s13 =	sadd.s32 $0x1C00, s25;
	[sflag:s12] =	ssyncadd.s32 $0xFFFFC000  }
0x1a: {  	[hbm4b:s13+s3] =	stream.linear.scatter [tilespmem:s8], [sflag:$0x3], $0x4000, $0x38;
	[tilespmem:$0x8400] =	vst v63  }
0x1b: {  	_ =	swait.ge [sflag:s4], $0x4000  }
0x1c: {  	[sflag:s4] =	ssyncset.done $0x0  }
0x1d: {  	s14 =	simm.s32 $0x180;
	[sflag:s4] =	ssyncadd.s32 $0xFFFFC000  }
0x1e: {  	[tilespmem:s8], [sflag:$0x2] =	stream.indirect.gather [hbm4b:s2+s6], $0x80, s14, s6, $0xb8;
	[tilespmem:$0x8400] =	vst v63  }
0x1f: {  	_ =	swait.ge [sflag:s9], $0x4000  }
0x20: {  	[sflag:s9] =	ssyncset.done $0x0  }
0x21: {  	s15 =	sadd.s32 $0x2400, s25;
	[sflag:s9] =	ssyncadd.s32 $0xFFFFC000  }
0x22: {  	[hbm4b:s15+s3] =	stream.linear.scatter [tilespmem:s7], [sflag:$0x3], $0x4000, $0x38;
	[tilespmem:$0x8400] =	vst v63  }
0x23: {  	_ =	swait.ge [sflag:s4], $0x4000  }
0x24: {  	[sflag:s4] =	ssyncset.done $0x0  }
0x25: {  	s16 =	simm.s32 $0x200;
	[sflag:s4] =	ssyncadd.s32 $0xFFFFC000  }
0x26: {  	[tilespmem:s7], [sflag:$0x1] =	stream.indirect.gather [hbm4b:s2+s6], $0x80, s16, s6, $0xb8;
	[tilespmem:$0x8400] =	vst v63  }
0x27: {  	_ =	swait.ge [sflag:s12], $0x4000  }
0x28: {  	[sflag:s12] =	ssyncset.done $0x0  }
0x29: {  	s17 =	sadd.s32 $0x2C00, s25;
	[sflag:s12] =	ssyncadd.s32 $0xFFFFC000  }
0x2a: {  	[hbm4b:s17+s3] =	stream.linear.scatter [tilespmem:s8], [sflag:$0x3], $0x4000, $0x38;
	[tilespmem:$0x8400] =	vst v63  }
0x2b: {  	_ =	swait.ge [sflag:s4], $0x4000  }
0x2c: {  	[sflag:s4] =	ssyncset.done $0x0  }
0x2d: {  	s18 =	simm.s32 $0x280;
	[sflag:s4] =	ssyncadd.s32 $0xFFFFC000  }
0x2e: {  	[tilespmem:s8], [sflag:$0x2] =	stream.indirect.gather [hbm4b:s2+s6], $0x80, s18, s6, $0xb8;
	[tilespmem:$0x8400] =	vst v63  }
0x2f: {  	_ =	swait.ge [sflag:s9], $0x4000  }
0x30: {  	[sflag:s9] =	ssyncset.done $0x0  }
0x31: {  	s19 =	sadd.s32 $0x3400, s25;
	[sflag:s9] =	ssyncadd.s32 $0xFFFFC000  }
0x32: {  	[hbm4b:s19+s3] =	stream.linear.scatter [tilespmem:s7], [sflag:$0x3], $0x4000, $0x38;
	[tilespmem:$0x8400] =	vst v63  }
0x33: {  	_ =	swait.ge [sflag:s4], $0x4000  }
0x34: {  	[sflag:s4] =	ssyncset.done $0x0  }
0x35: {  	s20 =	simm.s32 $0x300;
	[sflag:s4] =	ssyncadd.s32 $0xFFFFC000  }
0x36: {  	[tilespmem:s7], [sflag:$0x1] =	stream.indirect.gather [hbm4b:s2+s6], $0x80, s20, s6, $0xb8;
	[tilespmem:$0x8400] =	vst v63  }
0x37: {  	_ =	swait.ge [sflag:s12], $0x4000  }
0x38: {  	[sflag:s12] =	ssyncset.done $0x0  }
0x39: {  	s21 =	sadd.s32 $0x3C00, s25;
	[sflag:s12] =	ssyncadd.s32 $0xFFFFC000  }
0x3a: {  	[hbm4b:s21+s3] =	stream.linear.scatter [tilespmem:s8], [sflag:$0x3], $0x4000, $0x38;
	[tilespmem:$0x8400] =	vst v63  }
0x3b: {  	_ =	swait.ge [sflag:s4], $0x4000  }
0x3c: {  	[sflag:s4] =	ssyncset.done $0x0  }
0x3d: {  	s22 =	simm.s32 $0x380;
	[sflag:s4] =	ssyncadd.s32 $0xFFFFC000  }
0x3e: {  	[tilespmem:s8], [sflag:$0x2] =	stream.indirect.gather [hbm4b:s2+s6], $0x80, s22, s6, $0xb8;
	[tilespmem:$0x8400] =	vst v63  }
0x3f: {  	_ =	swait.ge [sflag:s9], $0x4000  }
0x40: {  	[sflag:s9] =	ssyncset.done $0x0  }
0x41: {  	s24 =	ssub.s32 $0x2, s24;
	s23 =	sadd.s32 $0x4400, s25;
	[sflag:s9] =	ssyncadd.s32 $0xFFFFC000  }
0x42: {  	[hbm4b:s23+s3] =	stream.linear.scatter [tilespmem:s7], [sflag:$0x3], $0x4000, $0x38;
	[tilespmem:$0x8400] =	vst v63  }
0x43: {  	s26 =	sshrl.u32 s24, $0x1;
	_ =	swait.ge [sflag:s4], $0x4000  }
0x44: {  	s26 =	ssub.s32 s24, s26;
	[sflag:s4] =	ssyncset.done $0x0  }
0x45: {  	s31 =	smax.u32 s26, $0x1;
	[sflag:s4] =	ssyncadd.s32 $0xFFFFC000  }
0x46: {  	p0 =	sne.s32 s31, $0x1;
	_ =	swait.ge [sflag:s12], $0x4000  }
.Ltmp0:
0x47: {  	[sflag:s12] =	ssyncset.done $0x0;
	(pc) =	sbr.rel @!p0 .LBB2_2-.Ltmp0, $4  }
0x48: {  	s24 =	sadd.s32 $0x4C00, s25;
	[sflag:s12] =	ssyncadd.s32 $0xFFFFC000  }
0x49: {  	[hbm4b:s24+s3] =	stream.linear.scatter [tilespmem:s8], [sflag:$0x3], $0x4000, $0x38;
	[tilespmem:$0x8400] =	vst v63  }
0x4a: {  	_ =	swait.ge [sflag:s4], $0x4000  }
0x4b: {  	s25 =	sadd.s32 $0xFFFFFFFF, s31;
	[sflag:s4] =	ssyncset.done $0x0  }
.LBB2_1:
0x4c: {  	p0 =	sne.s32 s25, $0x1;
	s25 =	sadd.s32 $0xFFFFFFFF, s25;
	[sflag:s4] =	ssyncadd.s32 $0xFFFFC000  }
0x4d: {  	[tilespmem:s3], [sflag:$0x3] =	stream.linear.gather [hbm4b:s5+s3], $0x400, $0x38;
	[tilespmem:$0x8400] =	vst v63  }
0x4e: {  	_ =	swait.ge [sflag:s4], $0x400  }
0x4f: {  	[sflag:s4] =	ssyncset.done $0x0  }
0x50: {  	[sflag:s4] =	ssyncadd.s32 $0xFFFFFC00  }
0x51: {  	[tilespmem:s7], [sflag:$0x1] =	stream.indirect.gather [hbm4b:s2+s6], $0x80, s3, s6, $0xb8;
	[tilespmem:$0x8400] =	vst v63  }
0x52: {  	_ = 	snop  }
0x53: {  	[tilespmem:s8], [sflag:$0x2] =	stream.indirect.gather [hbm4b:s2+s6], $0x80, s6, s6, $0xb8;
	[tilespmem:$0x8400] =	vst v63  }
0x54: {  	_ =	swait.ge [sflag:s9], $0x4000  }
0x55: {  	[sflag:s9] =	ssyncset.done $0x0  }
0x56: {  	[sflag:s9] =	ssyncadd.s32 $0xFFFFC000  }
0x57: {  	[hbm4b:s10+s3] =	stream.linear.scatter [tilespmem:s7], [sflag:$0x3], $0x4000, $0x38;
	[tilespmem:$0x8400] =	vst v63  }
0x58: {  	_ =	swait.ge [sflag:s4], $0x4000  }
0x59: {  	[sflag:s4] =	ssyncset.done $0x0  }
0x5a: {  	[sflag:s4] =	ssyncadd.s32 $0xFFFFC000  }
0x5b: {  	[tilespmem:s7], [sflag:$0x1] =	stream.indirect.gather [hbm4b:s2+s6], $0x80, s11, s6, $0xb8;
	[tilespmem:$0x8400] =	vst v63  }
0x5c: {  	_ =	swait.ge [sflag:s12], $0x4000  }
0x5d: {  	[sflag:s12] =	ssyncset.done $0x0  }
0x5e: {  	[sflag:s12] =	ssyncadd.s32 $0xFFFFC000  }
0x5f: {  	[hbm4b:s13+s3] =	stream.linear.scatter [tilespmem:s8], [sflag:$0x3], $0x4000, $0x38;
	[tilespmem:$0x8400] =	vst v63  }
0x60: {  	_ =	swait.ge [sflag:s4], $0x4000  }
0x61: {  	[sflag:s4] =	ssyncset.done $0x0  }
0x62: {  	[sflag:s4] =	ssyncadd.s32 $0xFFFFC000  }
0x63: {  	[tilespmem:s8], [sflag:$0x2] =	stream.indirect.gather [hbm4b:s2+s6], $0x80, s14, s6, $0xb8;
	[tilespmem:$0x8400] =	vst v63  }
0x64: {  	_ =	swait.ge [sflag:s9], $0x4000  }
0x65: {  	[sflag:s9] =	ssyncset.done $0x0  }
0x66: {  	[sflag:s9] =	ssyncadd.s32 $0xFFFFC000  }
0x67: {  	[hbm4b:s15+s3] =	stream.linear.scatter [tilespmem:s7], [sflag:$0x3], $0x4000, $0x38;
	[tilespmem:$0x8400] =	vst v63  }
0x68: {  	_ =	swait.ge [sflag:s4], $0x4000  }
0x69: {  	[sflag:s4] =	ssyncset.done $0x0  }
0x6a: {  	[sflag:s4] =	ssyncadd.s32 $0xFFFFC000  }
0x6b: {  	[tilespmem:s7], [sflag:$0x1] =	stream.indirect.gather [hbm4b:s2+s6], $0x80, s16, s6, $0xb8;
	[tilespmem:$0x8400] =	vst v63  }
0x6c: {  	_ =	swait.ge [sflag:s12], $0x4000  }
0x6d: {  	[sflag:s12] =	ssyncset.done $0x0  }
0x6e: {  	[sflag:s12] =	ssyncadd.s32 $0xFFFFC000  }
0x6f: {  	[hbm4b:s17+s3] =	stream.linear.scatter [tilespmem:s8], [sflag:$0x3], $0x4000, $0x38;
	[tilespmem:$0x8400] =	vst v63  }
0x70: {  	_ =	swait.ge [sflag:s4], $0x4000  }
0x71: {  	[sflag:s4] =	ssyncset.done $0x0  }
0x72: {  	[sflag:s4] =	ssyncadd.s32 $0xFFFFC000  }
0x73: {  	[tilespmem:s8], [sflag:$0x2] =	stream.indirect.gather [hbm4b:s2+s6], $0x80, s18, s6, $0xb8;
	[tilespmem:$0x8400] =	vst v63  }
0x74: {  	_ =	swait.ge [sflag:s9], $0x4000  }
0x75: {  	[sflag:s9] =	ssyncset.done $0x0  }
0x76: {  	[sflag:s9] =	ssyncadd.s32 $0xFFFFC000  }
0x77: {  	[hbm4b:s19+s3] =	stream.linear.scatter [tilespmem:s7], [sflag:$0x3], $0x4000, $0x38;
	[tilespmem:$0x8400] =	vst v63  }
0x78: {  	_ =	swait.ge [sflag:s4], $0x4000  }
0x79: {  	[sflag:s4] =	ssyncset.done $0x0  }
0x7a: {  	[sflag:s4] =	ssyncadd.s32 $0xFFFFC000  }
0x7b: {  	[tilespmem:s7], [sflag:$0x1] =	stream.indirect.gather [hbm4b:s2+s6], $0x80, s20, s6, $0xb8;
	[tilespmem:$0x8400] =	vst v63  }
0x7c: {  	_ =	swait.ge [sflag:s12], $0x4000  }
0x7d: {  	[sflag:s12] =	ssyncset.done $0x0  }
0x7e: {  	[sflag:s12] =	ssyncadd.s32 $0xFFFFC000  }
0x7f: {  	[hbm4b:s21+s3] =	stream.linear.scatter [tilespmem:s8], [sflag:$0x3], $0x4000, $0x38;
	[tilespmem:$0x8400] =	vst v63  }
0x80: {  	_ =	swait.ge [sflag:s4], $0x4000  }
0x81: {  	[sflag:s4] =	ssyncset.done $0x0  }
0x82: {  	[sflag:s4] =	ssyncadd.s32 $0xFFFFC000  }
0x83: {  	[tilespmem:s8], [sflag:$0x2] =	stream.indirect.gather [hbm4b:s2+s6], $0x80, s22, s6, $0xb8;
	[tilespmem:$0x8400] =	vst v63  }
0x84: {  	_ =	swait.ge [sflag:s9], $0x4000  }
0x85: {  	[sflag:s9] =	ssyncset.done $0x0  }
0x86: {  	[sflag:s9] =	ssyncadd.s32 $0xFFFFC000  }
0x87: {  	[hbm4b:s23+s3] =	stream.linear.scatter [tilespmem:s7], [sflag:$0x3], $0x4000, $0x38;
	[tilespmem:$0x8400] =	vst v63  }
0x88: {  	_ =	swait.ge [sflag:s4], $0x4000  }
0x89: {  	[sflag:s4] =	ssyncset.done $0x0  }
0x8a: {  	[sflag:s4] =	ssyncadd.s32 $0xFFFFC000  }
0x8b: {  	_ =	swait.ge [sflag:s12], $0x4000  }
.Ltmp1:
0x8c: {  	[sflag:s12] =	ssyncset.done $0x0;
	(pc) =	sbr.rel @p0 .LBB2_1-.Ltmp1, $4  }
0x8d: {  	[sflag:s12] =	ssyncadd.s32 $0xFFFFC000  }
0x8e: {  	[hbm4b:s24+s3] =	stream.linear.scatter [tilespmem:s8], [sflag:$0x3], $0x4000, $0x38;
	[tilespmem:$0x8400] =	vst v63  }
0x8f: {  	_ =	swait.ge [sflag:s4], $0x4000  }
0x90: {  	[sflag:s4] =	ssyncset.done $0x0  }
.LBB2_2:
0x91: {  	[sflag:s4] =	ssyncadd.s32 $0xFFFFC000  }
0x92: {  	_ =	sfence.sel $0x180000  }
0x93: {  	[bflag:$0x0] =	sbarrier.arrive $0xFFFF  }
0x94: {  	p0 =	sne.s32 s0, $0x0;
	_ =	strace $0x90000047  }
0x95: {  	s0 =	sadd.s32 @!p0 $0x100000, s1;
	[bflag:$0x2] =	sbarrier.arrive $0xFFFF  }
0x96: {  	[sflag:s0] =	ssyncadd.tile.s32 @!p0 $0x1;
	_ =	shalt  }
.Lfunc_end2:
_tile_overlayer_lowered:
.L_overlay_start_2:
0x97: {  	(tag) =	ssettag $0x2  }
0x98: {  	s0 =	rddreg [dreg:$0x0];
	s2 =	stileid.u32  }
0x99: {  	s1 =	rddreg [dreg:$0x1];
	p0 =	sne.s32 s2, $0x0  }
0x9a: {  	s3 =	rddreg [dreg:$0x2];
	[bflag:$0x3] =	sbarrier.arrive $0xFFFF;
	s2 =	simm.s32 @!p0 $0x1C03  }
0x9b: {  	[timem:s3], [sflag:s2] =	dma.local @!p0 [hbm:s0], s1  }
0x9c: {  	s0 =	simm.s32 @!p0 $0x3  }
0x9d: {  	_ =	swait.ge @!p0 [sflag:s0], s1  }
0x9e: {  	s1 =	ssub.s32 @!p0 $0x0, s1;
	[sflag:s0] =	ssyncset.done @!p0 $0x0  }
0x9f: {  	[sflag:s0] =	ssyncadd.s32 @!p0 s1  }
0xa0: {  	[bflag:$0x3] =	sbarrier.arrive $0xFFFF  }
0xa1: {  	_ =	shalt  }

</sc_bundles>
